<compile_context>
chip_gen: v7x
topology: tpu7x:2x2x1
jax: 0.10.2.dev20260603
libtpu: 0.0.44.dev20260713+nightly
codegen_flags: <defaults>
</compile_context>

<pallas_src>
import functools

import jax
import jax.numpy as jnp
from jax import lax
from jax.experimental import pallas as pl
from jax.experimental.pallas import tpu as pltpu
from jax.experimental.pallas import tpu_sc as plsc

_LANES = 16
_NTILES = 32
_BLK_E = 8000
_VPB = _BLK_E // _LANES
_UNROLL = 5


def _make_sc_partials(n_elems: int):
    assert n_elems % _BLK_E == 0
    n_blocks = n_elems // _BLK_E
    blocks_per_tile = -(-n_blocks // _NTILES)

    mesh = plsc.VectorSubcoreMesh(core_axis_name="c", subcore_axis_name="s")

    @functools.partial(
        pl.kernel,
        mesh=mesh,
        out_type=jax.ShapeDtypeStruct((_NTILES, 4 * _LANES), jnp.float32),
        compiler_params=pltpu.CompilerParams(
            needs_layout_passes=False, use_tc_tiling_on_sc=False,
            disable_bounds_checks=True, disable_semaphore_checks=True),
        scratch_types=(
            [pltpu.VMEM((_BLK_E,), jnp.float32)] * 6
            + [pltpu.VMEM((_BLK_E,), jnp.int32)] * 3
            + [pltpu.VMEM((4 * _LANES,), jnp.float32)]
            + [pltpu.SemaphoreType.DMA] * 9
        ),
    )
    def sc_partials(p01_hbm, lab_hbm, out_hbm,
                    a0, a1, a2, b0, b1, b2, l0, l1, l2, stag,
                    sa0, sa1, sa2, sb0, sb1, sb2, sl0, sl1, sl2):
        wid = lax.axis_index("c") * 16 + lax.axis_index("s")
        abufs, bbufs, lbufs = (a0, a1, a2), (b0, b1, b2), (l0, l1, l2)
        asems, bsems, lsems = (sa0, sa1, sa2), (sb0, sb1, sb2), (sl0, sl1, sl2)

        zero = jnp.zeros((_LANES,), jnp.float32)

        _NBUF = 3

        def start_dma(i):
            g = jnp.minimum(wid + _NTILES * i, n_blocks - 1)
            ha = pltpu.async_copy(
                p01_hbm.at[pl.ds(g * _BLK_E, _BLK_E)],
                abufs[i % _NBUF], asems[i % _NBUF])
            hb = pltpu.async_copy(
                p01_hbm.at[pl.ds(n_elems + g * _BLK_E, _BLK_E)],
                bbufs[i % _NBUF], bsems[i % _NBUF])
            hl = pltpu.async_copy(
                lab_hbm.at[pl.ds(g * _BLK_E, _BLK_E)],
                lbufs[i % _NBUF], lsems[i % _NBUF])
            return ha, hb, hl

        def block_partials(abuf, bbuf, lbuf):
            zero4 = (zero, zero, zero, zero)

            def update(accs, k):
                s_p1l, s_p0, s_p0l, s_cnt = accs
                off = k * _LANES
                lv = lbuf[pl.ds(off, _LANES)]
                v0 = abuf[pl.ds(off, _LANES)]
                v1 = bbuf[pl.ds(off, _LANES)]
                lvf = lv.astype(jnp.float32)
                return (s_p1l + lvf * v1, s_p0 + v0,
                        s_p0l + lvf * v0, s_cnt + lvf)

            @plsc.parallel_loop(0, _VPB, step=2, unroll=_UNROLL,
                                carry=(zero4, zero4))
            def body(k, carry):
                ca, cb = carry
                return update(ca, k), update(cb, k + 1)

            ca, cb = body
            return tuple(a + b for a, b in zip(ca, cb))

        accs = [zero, zero, zero, zero]
        handles = [start_dma(j) for j in range(min(_NBUF, blocks_per_tile))]
        for i in range(blocks_per_tile):
            for h in handles[i % _NBUF]:
                h.wait()
            parts = block_partials(abufs[i % _NBUF], bbufs[i % _NBUF],
                                   lbufs[i % _NBUF])
            gate = jnp.where(wid + _NTILES * i < n_blocks,
                             jnp.float32(1.0), jnp.float32(0.0))
            accs = [a + gate * p for a, p in zip(accs, parts)]
            if i + _NBUF < blocks_per_tile:
                handles[i % _NBUF] = start_dma(i + _NBUF)

        for j, a in enumerate(accs):
            stag[pl.ds(j * _LANES, _LANES)] = a
        pltpu.sync_copy(stag, out_hbm.at[wid])

    return sc_partials


def kernel(pred, label):
    lab = label.reshape(-1).astype(jnp.int32)
    n = lab.shape[0]
    p01 = pred.reshape(n, 2).T.reshape(-1)

    parts = _make_sc_partials(n)(p01, lab)
    s = jnp.sum(parts.reshape(_NTILES, 4, _LANES), axis=(0, 2))
    sum_pos, sum_p0, sum_p0l, cnt_pos = s[0], s[1], s[2], s[3]
    sum_neg = sum_p0 - sum_p0l
    cnt_neg = jnp.float32(n) - cnt_pos
    loss_pos = jnp.where(cnt_pos > 0, -sum_pos / jnp.maximum(cnt_pos, 1.0), 0.0)
    loss_neg = jnp.where(cnt_neg > 0, -sum_neg / jnp.maximum(cnt_neg, 1.0), 0.0)
    return loss_pos * 0.5 + loss_neg * 0.5

# --- scband reference (transcript-rebuilt; emitter-appended) ---
"""Pipeline reference for scband-select-cross-entropy-loss-63642825392164 (READ-ONLY COPY).

The authoritative reference and input builder live on the scoring server;
editing this copy changes nothing except your own understanding.
"""

import jax, jax.numpy as jnp
import numpy as np

def setup_inputs(seed: int = 0) -> dict:
    key = jax.random.key(seed)
    k1, k2 = jax.random.split(key)
    pred = jax.random.normal(k1, (1000000, 2), dtype=jnp.float32)
    label = jax.random.randint(k2, (1000000,), 0, 2, dtype=jnp.int64)
    return {"pred": pred, "label": label}

def _masked_nll(pred2, label, mask):
    # nll_loss over selected rows: mean of -pred2[i, label[i]] where mask[i]
    cnt = jnp.sum(mask.astype(jnp.float32))
    picked = -jnp.take_along_axis(pred2, label[:, None], axis=1)[:, 0]
    total = jnp.sum(jnp.where(mask, picked, 0.0))
    # if select set is empty, torch branch returns 0
    return jnp.where(cnt > 0, total / jnp.maximum(cnt, 1.0), 0.0)

def reference(pred, label):
    pred2 = pred.reshape(-1, 2)
    lab = label.reshape(-1)
    pos_mask = lab == 1
    neg_mask = lab == 0
    loss_pos = _masked_nll(pred2, lab, pos_mask)
    loss_neg = _masked_nll(pred2, lab, neg_mask)
    return loss_pos * 0.5 + loss_neg * 0.5

if __name__ == "__main__":
    import jax
    _d = setup_inputs()
    print(jax.jit(kernel)(*tuple(_d.values())))

</pallas_src>

<mosaic_0001>
#map = affine_map<(d0, d1) -> (0)>
#map1 = affine_map<(d0, d1) -> (0, 0)>
module attributes {stable_mosaic.version = 14 : i64} {
  func.func @sc_partials(%arg0: i32, %arg1: i32, %arg2: memref<2000000xf32, #tpu.memory_space<hbm>>, %arg3: memref<1000000xi32, #tpu.memory_space<hbm>>, %arg4: memref<32x64xf32, #tpu.memory_space<hbm>>, %arg5: memref<8000xf32, #tpu.memory_space<vmem>>, %arg6: memref<8000xf32, #tpu.memory_space<vmem>>, %arg7: memref<8000xf32, #tpu.memory_space<vmem>>, %arg8: memref<8000xf32, #tpu.memory_space<vmem>>, %arg9: memref<8000xf32, #tpu.memory_space<vmem>>, %arg10: memref<8000xf32, #tpu.memory_space<vmem>>, %arg11: memref<8000xi32, #tpu.memory_space<vmem>>, %arg12: memref<8000xi32, #tpu.memory_space<vmem>>, %arg13: memref<8000xi32, #tpu.memory_space<vmem>>, %arg14: memref<64xf32, #tpu.memory_space<vmem>>, %arg15: memref<!tpu.dma_semaphore, #tpu.memory_space<semaphore_mem>>, %arg16: memref<!tpu.dma_semaphore, #tpu.memory_space<semaphore_mem>>, %arg17: memref<!tpu.dma_semaphore, #tpu.memory_space<semaphore_mem>>, %arg18: memref<!tpu.dma_semaphore, #tpu.memory_space<semaphore_mem>>, %arg19: memref<!tpu.dma_semaphore, #tpu.memory_space<semaphore_mem>>, %arg20: memref<!tpu.dma_semaphore, #tpu.memory_space<semaphore_mem>>, %arg21: memref<!tpu.dma_semaphore, #tpu.memory_space<semaphore_mem>>, %arg22: memref<!tpu.dma_semaphore, #tpu.memory_space<semaphore_mem>>, %arg23: memref<!tpu.dma_semaphore, #tpu.memory_space<semaphore_mem>>) attributes {dimension_semantics = [#tpu.dimension_semantics<core_parallel>, #tpu.dimension_semantics<subcore_parallel>], iteration_bounds = array<i64: 2, 16>, scalar_prefetch = 0 : i64, scratch_operands = 19 : i64, tpu.core_type = #tpu.core_type<sc_vector_subcore>, window_params = [{transform_indices = #map}, {transform_indices = #map}, {transform_indices = #map1}]} {
    %mul3A = arith.constant 16 : i32
    %mul3A_0 = arith.muli %arg0, %mul3A : i32
    %add3A = arith.addi %mul3A_0, %arg1 : i32
    %broadcast_in_dim3A = arith.constant 0.000000e+00 : f32
    %broadcast_in_dim3A_1 = vector.broadcast %broadcast_in_dim3A : f32 to vector<16xf32>
    %add3A_2 = arith.constant 0 : i32
    %add3A_3 = arith.addi %add3A, %add3A_2 : i32
    %min3A = arith.constant 124 : i32
    %min3A_4 = arith.minsi %add3A_3, %min3A : i32
    %mul3A_5 = arith.constant 8000 : i32
    %mul3A_6 = arith.muli %min3A_4, %mul3A_5 : i32
    %dma_start3A = tpu.memref_slice %arg2[%mul3A_6] : memref<2000000xf32, #tpu.memory_space<hbm>> -> memref<8000xf32, #tpu.memory_space<hbm>>
    %dma_start3A_7 = tpu.memref_slice %arg2[%mul3A_6] : memref<2000000xf32, #tpu.memory_space<hbm>> -> memref<8000xf32, #tpu.memory_space<hbm>>
    tpu.enqueue_dma source(%dma_start3A_7 : memref<8000xf32, #tpu.memory_space<hbm>>) target(%arg5 : memref<8000xf32, #tpu.memory_space<vmem>>) target_semaphore(%arg15 : memref<!tpu.dma_semaphore, #tpu.memory_space<semaphore_mem>>)
    %mul3A_8 = arith.constant 8000 : i32
    %mul3A_9 = arith.muli %min3A_4, %mul3A_8 : i32
    %add3A_10 = arith.constant 1000000 : i32
    %add3A_11 = arith.addi %add3A_10, %mul3A_9 : i32
    %dma_start3A_12 = tpu.memref_slice %arg2[%add3A_11] : memref<2000000xf32, #tpu.memory_space<hbm>> -> memref<8000xf32, #tpu.memory_space<hbm>>
    %dma_start3A_13 = tpu.memref_slice %arg2[%add3A_11] : memref<2000000xf32, #tpu.memory_space<hbm>> -> memref<8000xf32, #tpu.memory_space<hbm>>
    tpu.enqueue_dma source(%dma_start3A_13 : memref<8000xf32, #tpu.memory_space<hbm>>) target(%arg8 : memref<8000xf32, #tpu.memory_space<vmem>>) target_semaphore(%arg18 : memref<!tpu.dma_semaphore, #tpu.memory_space<semaphore_mem>>)
    %mul3A_14 = arith.constant 8000 : i32
    %mul3A_15 = arith.muli %min3A_4, %mul3A_14 : i32
    %dma_start3A_16 = tpu.memref_slice %arg3[%mul3A_15] : memref<1000000xi32, #tpu.memory_space<hbm>> -> memref<8000xi32, #tpu.memory_space<hbm>>
    %dma_start3A_17 = tpu.memref_slice %arg3[%mul3A_15] : memref<1000000xi32, #tpu.memory_space<hbm>> -> memref<8000xi32, #tpu.memory_space<hbm>>
    tpu.enqueue_dma source(%dma_start3A_17 : memref<8000xi32, #tpu.memory_space<hbm>>) target(%arg11 : memref<8000xi32, #tpu.memory_space<vmem>>) target_semaphore(%arg21 : memref<!tpu.dma_semaphore, #tpu.memory_space<semaphore_mem>>)
    %add3A_18 = arith.constant 32 : i32
    %add3A_19 = arith.addi %add3A, %add3A_18 : i32
    %min3A_20 = arith.constant 124 : i32
    %min3A_21 = arith.minsi %add3A_19, %min3A_20 : i32
    %mul3A_22 = arith.constant 8000 : i32
    %mul3A_23 = arith.muli %min3A_21, %mul3A_22 : i32
    %dma_start3A_24 = tpu.memref_slice %arg2[%mul3A_23] : memref<2000000xf32, #tpu.memory_space<hbm>> -> memref<8000xf32, #tpu.memory_space<hbm>>
    %dma_start3A_25 = tpu.memref_slice %arg2[%mul3A_23] : memref<2000000xf32, #tpu.memory_space<hbm>> -> memref<8000xf32, #tpu.memory_space<hbm>>
    tpu.enqueue_dma source(%dma_start3A_25 : memref<8000xf32, #tpu.memory_space<hbm>>) target(%arg6 : memref<8000xf32, #tpu.memory_space<vmem>>) target_semaphore(%arg16 : memref<!tpu.dma_semaphore, #tpu.memory_space<semaphore_mem>>)
    %mul3A_26 = arith.constant 8000 : i32
    %mul3A_27 = arith.muli %min3A_21, %mul3A_26 : i32
    %add3A_28 = arith.constant 1000000 : i32
    %add3A_29 = arith.addi %add3A_28, %mul3A_27 : i32
    %dma_start3A_30 = tpu.memref_slice %arg2[%add3A_29] : memref<2000000xf32, #tpu.memory_space<hbm>> -> memref<8000xf32, #tpu.memory_space<hbm>>
    %dma_start3A_31 = tpu.memref_slice %arg2[%add3A_29] : memref<2000000xf32, #tpu.memory_space<hbm>> -> memref<8000xf32, #tpu.memory_space<hbm>>
    tpu.enqueue_dma source(%dma_start3A_31 : memref<8000xf32, #tpu.memory_space<hbm>>) target(%arg9 : memref<8000xf32, #tpu.memory_space<vmem>>) target_semaphore(%arg19 : memref<!tpu.dma_semaphore, #tpu.memory_space<semaphore_mem>>)
    %mul3A_32 = arith.constant 8000 : i32
    %mul3A_33 = arith.muli %min3A_21, %mul3A_32 : i32
    %dma_start3A_34 = tpu.memref_slice %arg3[%mul3A_33] : memref<1000000xi32, #tpu.memory_space<hbm>> -> memref<8000xi32, #tpu.memory_space<hbm>>
    %dma_start3A_35 = tpu.memref_slice %arg3[%mul3A_33] : memref<1000000xi32, #tpu.memory_space<hbm>> -> memref<8000xi32, #tpu.memory_space<hbm>>
    tpu.enqueue_dma source(%dma_start3A_35 : memref<8000xi32, #tpu.memory_space<hbm>>) target(%arg12 : memref<8000xi32, #tpu.memory_space<vmem>>) target_semaphore(%arg22 : memref<!tpu.dma_semaphore, #tpu.memory_space<semaphore_mem>>)
    %add3A_36 = arith.constant 64 : i32
    %add3A_37 = arith.addi %add3A, %add3A_36 : i32
    %min3A_38 = arith.constant 124 : i32
    %min3A_39 = arith.minsi %add3A_37, %min3A_38 : i32
    %mul3A_40 = arith.constant 8000 : i32
    %mul3A_41 = arith.muli %min3A_39, %mul3A_40 : i32
    %dma_start3A_42 = tpu.memref_slice %arg2[%mul3A_41] : memref<2000000xf32, #tpu.memory_space<hbm>> -> memref<8000xf32, #tpu.memory_space<hbm>>
    %dma_start3A_43 = tpu.memref_slice %arg2[%mul3A_41] : memref<2000000xf32, #tpu.memory_space<hbm>> -> memref<8000xf32, #tpu.memory_space<hbm>>
    tpu.enqueue_dma source(%dma_start3A_43 : memref<8000xf32, #tpu.memory_space<hbm>>) target(%arg7 : memref<8000xf32, #tpu.memory_space<vmem>>) target_semaphore(%arg17 : memref<!tpu.dma_semaphore, #tpu.memory_space<semaphore_mem>>)
    %mul3A_44 = arith.constant 8000 : i32
    %mul3A_45 = arith.muli %min3A_39, %mul3A_44 : i32
    %add3A_46 = arith.constant 1000000 : i32
    %add3A_47 = arith.addi %add3A_46, %mul3A_45 : i32
    %dma_start3A_48 = tpu.memref_slice %arg2[%add3A_47] : memref<2000000xf32, #tpu.memory_space<hbm>> -> memref<8000xf32, #tpu.memory_space<hbm>>
    %dma_start3A_49 = tpu.memref_slice %arg2[%add3A_47] : memref<2000000xf32, #tpu.memory_space<hbm>> -> memref<8000xf32, #tpu.memory_space<hbm>>
    tpu.enqueue_dma source(%dma_start3A_49 : memref<8000xf32, #tpu.memory_space<hbm>>) target(%arg10 : memref<8000xf32, #tpu.memory_space<vmem>>) target_semaphore(%arg20 : memref<!tpu.dma_semaphore, #tpu.memory_space<semaphore_mem>>)
    %mul3A_50 = arith.constant 8000 : i32
    %mul3A_51 = arith.muli %min3A_39, %mul3A_50 : i32
    %dma_start3A_52 = tpu.memref_slice %arg3[%mul3A_51] : memref<1000000xi32, #tpu.memory_space<hbm>> -> memref<8000xi32, #tpu.memory_space<hbm>>
    %dma_start3A_53 = tpu.memref_slice %arg3[%mul3A_51] : memref<1000000xi32, #tpu.memory_space<hbm>> -> memref<8000xi32, #tpu.memory_space<hbm>>
    tpu.enqueue_dma source(%dma_start3A_53 : memref<8000xi32, #tpu.memory_space<hbm>>) target(%arg13 : memref<8000xi32, #tpu.memory_space<vmem>>) target_semaphore(%arg23 : memref<!tpu.dma_semaphore, #tpu.memory_space<semaphore_mem>>)
    %dma_wait3A = tpu.memref_slice %arg2[%mul3A_6] : memref<2000000xf32, #tpu.memory_space<hbm>> -> memref<8000xf32, #tpu.memory_space<hbm>>
    %dma_wait3A_54 = tpu.memref_slice %arg2[%mul3A_6] : memref<2000000xf32, #tpu.memory_space<hbm>> -> memref<8000xf32, #tpu.memory_space<hbm>>
    tpu.wait_dma2 semaphore(%arg15 : memref<!tpu.dma_semaphore, #tpu.memory_space<semaphore_mem>>) src(%dma_wait3A_54 : memref<8000xf32, #tpu.memory_space<hbm>>) dst(%arg5 : memref<8000xf32, #tpu.memory_space<vmem>>)
    %dma_wait3A_55 = tpu.memref_slice %arg2[%add3A_11] : memref<2000000xf32, #tpu.memory_space<hbm>> -> memref<8000xf32, #tpu.memory_space<hbm>>
    %dma_wait3A_56 = tpu.memref_slice %arg2[%add3A_11] : memref<2000000xf32, #tpu.memory_space<hbm>> -> memref<8000xf32, #tpu.memory_space<hbm>>
    tpu.wait_dma2 semaphore(%arg18 : memref<!tpu.dma_semaphore, #tpu.memory_space<semaphore_mem>>) src(%dma_wait3A_56 : memref<8000xf32, #tpu.memory_space<hbm>>) dst(%arg8 : memref<8000xf32, #tpu.memory_space<vmem>>)
    %dma_wait3A_57 = tpu.memref_slice %arg3[%mul3A_15] : memref<1000000xi32, #tpu.memory_space<hbm>> -> memref<8000xi32, #tpu.memory_space<hbm>>
    %dma_wait3A_58 = tpu.memref_slice %arg3[%mul3A_15] : memref<1000000xi32, #tpu.memory_space<hbm>> -> memref<8000xi32, #tpu.memory_space<hbm>>
    tpu.wait_dma2 semaphore(%arg21 : memref<!tpu.dma_semaphore, #tpu.memory_space<semaphore_mem>>) src(%dma_wait3A_58 : memref<8000xi32, #tpu.memory_space<hbm>>) dst(%arg11 : memref<8000xi32, #tpu.memory_space<vmem>>)
    %parallel_loop3A = arith.constant 0 : i32
    %parallel_loop3A_59 = arith.constant 500 : i32
    %parallel_loop3A_60 = arith.constant 2 : i32
    %parallel_loop3A_61:8 = scf.for %parallel_loop3A_206 = %parallel_loop3A to %parallel_loop3A_59 step %parallel_loop3A_60 iter_args(%parallel_loop3A_207 = %broadcast_in_dim3A_1, %parallel_loop3A_208 = %broadcast_in_dim3A_1, %parallel_loop3A_209 = %broadcast_in_dim3A_1, %parallel_loop3A_210 = %broadcast_in_dim3A_1, %parallel_loop3A_211 = %broadcast_in_dim3A_1, %parallel_loop3A_212 = %broadcast_in_dim3A_1, %parallel_loop3A_213 = %broadcast_in_dim3A_1, %parallel_loop3A_214 = %broadcast_in_dim3A_1) -> (vector<16xf32>, vector<16xf32>, vector<16xf32>, vector<16xf32>, vector<16xf32>, vector<16xf32>, vector<16xf32>, vector<16xf32>)  : i32 {
      %parallel_loop3A_215 = arith.constant 16 : i32
      %parallel_loop3A_216 = arith.muli %parallel_loop3A_206, %parallel_loop3A_215 : i32
      %parallel_loop3A_217 = arith.index_cast %parallel_loop3A_216 : i32 to index
      %parallel_loop3A_218 = tpu.vector_load %arg11[%parallel_loop3A_217] {strides = array<i32>} : memref<8000xi32, #tpu.memory_space<vmem>>, vector<16xi32>,
      %parallel_loop3A_219 = arith.index_cast %parallel_loop3A_216 : i32 to index
      %parallel_loop3A_220 = tpu.vector_load %arg5[%parallel_loop3A_219] {strides = array<i32>} : memref<8000xf32, #tpu.memory_space<vmem>>, vector<16xf32>,
      %parallel_loop3A_221 = arith.index_cast %parallel_loop3A_216 : i32 to index
      %parallel_loop3A_222 = tpu.vector_load %arg8[%parallel_loop3A_221] {strides = array<i32>} : memref<8000xf32, #tpu.memory_space<vmem>>, vector<16xf32>,
      %parallel_loop3A_223 = arith.sitofp %parallel_loop3A_218 : vector<16xi32> to vector<16xf32>
      %parallel_loop3A_224 = arith.mulf %parallel_loop3A_223, %parallel_loop3A_222 : vector<16xf32>
      %parallel_loop3A_225 = arith.addf %parallel_loop3A_207, %parallel_loop3A_224 : vector<16xf32>
      %parallel_loop3A_226 = arith.addf %parallel_loop3A_208, %parallel_loop3A_220 : vector<16xf32>
      %parallel_loop3A_227 = arith.mulf %parallel_loop3A_223, %parallel_loop3A_220 : vector<16xf32>
      %parallel_loop3A_228 = arith.addf %parallel_loop3A_209, %parallel_loop3A_227 : vector<16xf32>
      %parallel_loop3A_229 = arith.addf %parallel_loop3A_210, %parallel_loop3A_223 : vector<16xf32>
      %parallel_loop3A_230 = arith.constant 1 : i32
      %parallel_loop3A_231 = arith.addi %parallel_loop3A_206, %parallel_loop3A_230 : i32
      %parallel_loop3A_232 = arith.constant 16 : i32
      %parallel_loop3A_233 = arith.muli %parallel_loop3A_231, %parallel_loop3A_232 : i32
      %parallel_loop3A_234 = arith.index_cast %parallel_loop3A_233 : i32 to index
      %parallel_loop3A_235 = tpu.vector_load %arg11[%parallel_loop3A_234] {strides = array<i32>} : memref<8000xi32, #tpu.memory_space<vmem>>, vector<16xi32>,
      %parallel_loop3A_236 = arith.index_cast %parallel_loop3A_233 : i32 to index
      %parallel_loop3A_237 = tpu.vector_load %arg5[%parallel_loop3A_236] {strides = array<i32>} : memref<8000xf32, #tpu.memory_space<vmem>>, vector<16xf32>,
      %parallel_loop3A_238 = arith.index_cast %parallel_loop3A_233 : i32 to index
      %parallel_loop3A_239 = tpu.vector_load %arg8[%parallel_loop3A_238] {strides = array<i32>} : memref<8000xf32, #tpu.memory_space<vmem>>, vector<16xf32>,
      %parallel_loop3A_240 = arith.sitofp %parallel_loop3A_235 : vector<16xi32> to vector<16xf32>
      %parallel_loop3A_241 = arith.mulf %parallel_loop3A_240, %parallel_loop3A_239 : vector<16xf32>
      %parallel_loop3A_242 = arith.addf %parallel_loop3A_211, %parallel_loop3A_241 : vector<16xf32>
      %parallel_loop3A_243 = arith.addf %parallel_loop3A_212, %parallel_loop3A_237 : vector<16xf32>
      %parallel_loop3A_244 = arith.mulf %parallel_loop3A_240, %parallel_loop3A_237 : vector<16xf32>
      %parallel_loop3A_245 = arith.addf %parallel_loop3A_213, %parallel_loop3A_244 : vector<16xf32>
      %parallel_loop3A_246 = arith.addf %parallel_loop3A_214, %parallel_loop3A_240 : vector<16xf32>
      scf.yield %parallel_loop3A_225, %parallel_loop3A_226, %parallel_loop3A_228, %parallel_loop3A_229, %parallel_loop3A_242, %parallel_loop3A_243, %parallel_loop3A_245, %parallel_loop3A_246 : vector<16xf32>, vector<16xf32>, vector<16xf32>, vector<16xf32>, vector<16xf32>, vector<16xf32>, vector<16xf32>, vector<16xf32>
    } {sc.loop_unroll_factor = 5 : i64, sc.parallel_access}
    %add3A_62 = arith.addf %parallel_loop3A_61#0, %parallel_loop3A_61#4 : vector<16xf32>
    %add3A_63 = arith.addf %parallel_loop3A_61#1, %parallel_loop3A_61#5 : vector<16xf32>
    %add3A_64 = arith.addf %parallel_loop3A_61#2, %parallel_loop3A_61#6 : vector<16xf32>
    %add3A_65 = arith.addf %parallel_loop3A_61#3, %parallel_loop3A_61#7 : vector<16xf32>
    %add3A_66 = arith.constant 0 : i32
    %add3A_67 = arith.addi %add3A, %add3A_66 : i32
    %lt3A = arith.constant 125 : i32
    %lt3A_68 = arith.cmpi slt, %add3A_67, %lt3A : i32
    %jit3A = arith.constant 1.000000e+00 : f32
    %jit3A_69 = arith.constant 0.000000e+00 : f32
    %select_n3A = arith.select %lt3A_68, %jit3A, %jit3A_69 : f32
    %mul3A_70 = vector.broadcast %select_n3A : f32 to vector<16xf32>
    %mul3A_71 = arith.mulf %mul3A_70, %add3A_62 : vector<16xf32>
    %add3A_72 = arith.addf %broadcast_in_dim3A_1, %mul3A_71 : vector<16xf32>
    %mul3A_73 = vector.broadcast %select_n3A : f32 to vector<16xf32>
    %mul3A_74 = arith.mulf %mul3A_73, %add3A_63 : vector<16xf32>
    %add3A_75 = arith.addf %broadcast_in_dim3A_1, %mul3A_74 : vector<16xf32>
    %mul3A_76 = vector.broadcast %select_n3A : f32 to vector<16xf32>
    %mul3A_77 = arith.mulf %mul3A_76, %add3A_64 : vector<16xf32>
    %add3A_78 = arith.addf %broadcast_in_dim3A_1, %mul3A_77 : vector<16xf32>
    %mul3A_79 = vector.broadcast %select_n3A : f32 to vector<16xf32>
    %mul3A_80 = arith.mulf %mul3A_79, %add3A_65 : vector<16xf32>
    %add3A_81 = arith.addf %broadcast_in_dim3A_1, %mul3A_80 : vector<16xf32>
    %add3A_82 = arith.constant 96 : i32
    %add3A_83 = arith.addi %add3A, %add3A_82 : i32
    %min3A_84 = arith.constant 124 : i32
    %min3A_85 = arith.minsi %add3A_83, %min3A_84 : i32
    %mul3A_86 = arith.constant 8000 : i32
    %mul3A_87 = arith.muli %min3A_85, %mul3A_86 : i32
    %dma_start3A_88 = tpu.memref_slice %arg2[%mul3A_87] : memref<2000000xf32, #tpu.memory_space<hbm>> -> memref<8000xf32, #tpu.memory_space<hbm>>
    %dma_start3A_89 = tpu.memref_slice %arg2[%mul3A_87] : memref<2000000xf32, #tpu.memory_space<hbm>> -> memref<8000xf32, #tpu.memory_space<hbm>>
    tpu.enqueue_dma source(%dma_start3A_89 : memref<8000xf32, #tpu.memory_space<hbm>>) target(%arg5 : memref<8000xf32, #tpu.memory_space<vmem>>) target_semaphore(%arg15 : memref<!tpu.dma_semaphore, #tpu.memory_space<semaphore_mem>>)
    %mul3A_90 = arith.constant 8000 : i32
    %mul3A_91 = arith.muli %min3A_85, %mul3A_90 : i32
    %add3A_92 = arith.constant 1000000 : i32
    %add3A_93 = arith.addi %add3A_92, %mul3A_91 : i32
    %dma_start3A_94 = tpu.memref_slice %arg2[%add3A_93] : memref<2000000xf32, #tpu.memory_space<hbm>> -> memref<8000xf32, #tpu.memory_space<hbm>>
    %dma_start3A_95 = tpu.memref_slice %arg2[%add3A_93] : memref<2000000xf32, #tpu.memory_space<hbm>> -> memref<8000xf32, #tpu.memory_space<hbm>>
    tpu.enqueue_dma source(%dma_start3A_95 : memref<8000xf32, #tpu.memory_space<hbm>>) target(%arg8 : memref<8000xf32, #tpu.memory_space<vmem>>) target_semaphore(%arg18 : memref<!tpu.dma_semaphore, #tpu.memory_space<semaphore_mem>>)
    %mul3A_96 = arith.constant 8000 : i32
    %mul3A_97 = arith.muli %min3A_85, %mul3A_96 : i32
    %dma_start3A_98 = tpu.memref_slice %arg3[%mul3A_97] : memref<1000000xi32, #tpu.memory_space<hbm>> -> memref<8000xi32, #tpu.memory_space<hbm>>
    %dma_start3A_99 = tpu.memref_slice %arg3[%mul3A_97] : memref<1000000xi32, #tpu.memory_space<hbm>> -> memref<8000xi32, #tpu.memory_space<hbm>>
    tpu.enqueue_dma source(%dma_start3A_99 : memref<8000xi32, #tpu.memory_space<hbm>>) target(%arg11 : memref<8000xi32, #tpu.memory_space<vmem>>) target_semaphore(%arg21 : memref<!tpu.dma_semaphore, #tpu.memory_space<semaphore_mem>>)
    %dma_wait3A_100 = tpu.memref_slice %arg2[%mul3A_23] : memref<2000000xf32, #tpu.memory_space<hbm>> -> memref<8000xf32, #tpu.memory_space<hbm>>
    %dma_wait3A_101 = tpu.memref_slice %arg2[%mul3A_23] : memref<2000000xf32, #tpu.memory_space<hbm>> -> memref<8000xf32, #tpu.memory_space<hbm>>
    tpu.wait_dma2 semaphore(%arg16 : memref<!tpu.dma_semaphore, #tpu.memory_space<semaphore_mem>>) src(%dma_wait3A_101 : memref<8000xf32, #tpu.memory_space<hbm>>) dst(%arg6 : memref<8000xf32, #tpu.memory_space<vmem>>)
    %dma_wait3A_102 = tpu.memref_slice %arg2[%add3A_29] : memref<2000000xf32, #tpu.memory_space<hbm>> -> memref<8000xf32, #tpu.memory_space<hbm>>
    %dma_wait3A_103 = tpu.memref_slice %arg2[%add3A_29] : memref<2000000xf32, #tpu.memory_space<hbm>> -> memref<8000xf32, #tpu.memory_space<hbm>>
    tpu.wait_dma2 semaphore(%arg19 : memref<!tpu.dma_semaphore, #tpu.memory_space<semaphore_mem>>) src(%dma_wait3A_103 : memref<8000xf32, #tpu.memory_space<hbm>>) dst(%arg9 : memref<8000xf32, #tpu.memory_space<vmem>>)
    %dma_wait3A_104 = tpu.memref_slice %arg3[%mul3A_33] : memref<1000000xi32, #tpu.memory_space<hbm>> -> memref<8000xi32, #tpu.memory_space<hbm>>
    %dma_wait3A_105 = tpu.memref_slice %arg3[%mul3A_33] : memref<1000000xi32, #tpu.memory_space<hbm>> -> memref<8000xi32, #tpu.memory_space<hbm>>
    tpu.wait_dma2 semaphore(%arg22 : memref<!tpu.dma_semaphore, #tpu.memory_space<semaphore_mem>>) src(%dma_wait3A_105 : memref<8000xi32, #tpu.memory_space<hbm>>) dst(%arg12 : memref<8000xi32, #tpu.memory_space<vmem>>)
    %parallel_loop3A_106 = arith.constant 0 : i32
    %parallel_loop3A_107 = arith.constant 500 : i32
    %parallel_loop3A_108 = arith.constant 2 : i32
    %parallel_loop3A_109:8 = scf.for %parallel_loop3A_206 = %parallel_loop3A_106 to %parallel_loop3A_107 step %parallel_loop3A_108 iter_args(%parallel_loop3A_207 = %broadcast_in_dim3A_1, %parallel_loop3A_208 = %broadcast_in_dim3A_1, %parallel_loop3A_209 = %broadcast_in_dim3A_1, %parallel_loop3A_210 = %broadcast_in_dim3A_1, %parallel_loop3A_211 = %broadcast_in_dim3A_1, %parallel_loop3A_212 = %broadcast_in_dim3A_1, %parallel_loop3A_213 = %broadcast_in_dim3A_1, %parallel_loop3A_214 = %broadcast_in_dim3A_1) -> (vector<16xf32>, vector<16xf32>, vector<16xf32>, vector<16xf32>, vector<16xf32>, vector<16xf32>, vector<16xf32>, vector<16xf32>)  : i32 {
      %parallel_loop3A_215 = arith.constant 16 : i32
      %parallel_loop3A_216 = arith.muli %parallel_loop3A_206, %parallel_loop3A_215 : i32
      %parallel_loop3A_217 = arith.index_cast %parallel_loop3A_216 : i32 to index
      %parallel_loop3A_218 = tpu.vector_load %arg12[%parallel_loop3A_217] {strides = array<i32>} : memref<8000xi32, #tpu.memory_space<vmem>>, vector<16xi32>,
      %parallel_loop3A_219 = arith.index_cast %parallel_loop3A_216 : i32 to index
      %parallel_loop3A_220 = tpu.vector_load %arg6[%parallel_loop3A_219] {strides = array<i32>} : memref<8000xf32, #tpu.memory_space<vmem>>, vector<16xf32>,
      %parallel_loop3A_221 = arith.index_cast %parallel_loop3A_216 : i32 to index
      %parallel_loop3A_222 = tpu.vector_load %arg9[%parallel_loop3A_221] {strides = array<i32>} : memref<8000xf32, #tpu.memory_space<vmem>>, vector<16xf32>,
      %parallel_loop3A_223 = arith.sitofp %parallel_loop3A_218 : vector<16xi32> to vector<16xf32>
      %parallel_loop3A_224 = arith.mulf %parallel_loop3A_223, %parallel_loop3A_222 : vector<16xf32>
      %parallel_loop3A_225 = arith.addf %parallel_loop3A_207, %parallel_loop3A_224 : vector<16xf32>
      %parallel_loop3A_226 = arith.addf %parallel_loop3A_208, %parallel_loop3A_220 : vector<16xf32>
      %parallel_loop3A_227 = arith.mulf %parallel_loop3A_223, %parallel_loop3A_220 : vector<16xf32>
      %parallel_loop3A_228 = arith.addf %parallel_loop3A_209, %parallel_loop3A_227 : vector<16xf32>
      %parallel_loop3A_229 = arith.addf %parallel_loop3A_210, %parallel_loop3A_223 : vector<16xf32>
      %parallel_loop3A_230 = arith.constant 1 : i32
      %parallel_loop3A_231 = arith.addi %parallel_loop3A_206, %parallel_loop3A_230 : i32
      %parallel_loop3A_232 = arith.constant 16 : i32
      %parallel_loop3A_233 = arith.muli %parallel_loop3A_231, %parallel_loop3A_232 : i32
      %parallel_loop3A_234 = arith.index_cast %parallel_loop3A_233 : i32 to index
      %parallel_loop3A_235 = tpu.vector_load %arg12[%parallel_loop3A_234] {strides = array<i32>} : memref<8000xi32, #tpu.memory_space<vmem>>, vector<16xi32>,
      %parallel_loop3A_236 = arith.index_cast %parallel_loop3A_233 : i32 to index
      %parallel_loop3A_237 = tpu.vector_load %arg6[%parallel_loop3A_236] {strides = array<i32>} : memref<8000xf32, #tpu.memory_space<vmem>>, vector<16xf32>,
      %parallel_loop3A_238 = arith.index_cast %parallel_loop3A_233 : i32 to index
      %parallel_loop3A_239 = tpu.vector_load %arg9[%parallel_loop3A_238] {strides = array<i32>} : memref<8000xf32, #tpu.memory_space<vmem>>, vector<16xf32>,
      %parallel_loop3A_240 = arith.sitofp %parallel_loop3A_235 : vector<16xi32> to vector<16xf32>
      %parallel_loop3A_241 = arith.mulf %parallel_loop3A_240, %parallel_loop3A_239 : vector<16xf32>
      %parallel_loop3A_242 = arith.addf %parallel_loop3A_211, %parallel_loop3A_241 : vector<16xf32>
      %parallel_loop3A_243 = arith.addf %parallel_loop3A_212, %parallel_loop3A_237 : vector<16xf32>
      %parallel_loop3A_244 = arith.mulf %parallel_loop3A_240, %parallel_loop3A_237 : vector<16xf32>
      %parallel_loop3A_245 = arith.addf %parallel_loop3A_213, %parallel_loop3A_244 : vector<16xf32>
      %parallel_loop3A_246 = arith.addf %parallel_loop3A_214, %parallel_loop3A_240 : vector<16xf32>
      scf.yield %parallel_loop3A_225, %parallel_loop3A_226, %parallel_loop3A_228, %parallel_loop3A_229, %parallel_loop3A_242, %parallel_loop3A_243, %parallel_loop3A_245, %parallel_loop3A_246 : vector<16xf32>, vector<16xf32>, vector<16xf32>, vector<16xf32>, vector<16xf32>, vector<16xf32>, vector<16xf32>, vector<16xf32>
    } {sc.loop_unroll_factor = 5 : i64, sc.parallel_access}
    %add3A_110 = arith.addf %parallel_loop3A_109#0, %parallel_loop3A_109#4 : vector<16xf32>
    %add3A_111 = arith.addf %parallel_loop3A_109#1, %parallel_loop3A_109#5 : vector<16xf32>
    %add3A_112 = arith.addf %parallel_loop3A_109#2, %parallel_loop3A_109#6 : vector<16xf32>
    %add3A_113 = arith.addf %parallel_loop3A_109#3, %parallel_loop3A_109#7 : vector<16xf32>
    %add3A_114 = arith.constant 32 : i32
    %add3A_115 = arith.addi %add3A, %add3A_114 : i32
    %lt3A_116 = arith.constant 125 : i32
    %lt3A_117 = arith.cmpi slt, %add3A_115, %lt3A_116 : i32
    %jit3A_118 = arith.constant 1.000000e+00 : f32
    %jit3A_119 = arith.constant 0.000000e+00 : f32
    %select_n3A_120 = arith.select %lt3A_117, %jit3A_118, %jit3A_119 : f32
    %mul3A_121 = vector.broadcast %select_n3A_120 : f32 to vector<16xf32>
    %mul3A_122 = arith.mulf %mul3A_121, %add3A_110 : vector<16xf32>
    %add3A_123 = arith.addf %add3A_72, %mul3A_122 : vector<16xf32>
    %mul3A_124 = vector.broadcast %select_n3A_120 : f32 to vector<16xf32>
    %mul3A_125 = arith.mulf %mul3A_124, %add3A_111 : vector<16xf32>
    %add3A_126 = arith.addf %add3A_75, %mul3A_125 : vector<16xf32>
    %mul3A_127 = vector.broadcast %select_n3A_120 : f32 to vector<16xf32>
    %mul3A_128 = arith.mulf %mul3A_127, %add3A_112 : vector<16xf32>
    %add3A_129 = arith.addf %add3A_78, %mul3A_128 : vector<16xf32>
    %mul3A_130 = vector.broadcast %select_n3A_120 : f32 to vector<16xf32>
    %mul3A_131 = arith.mulf %mul3A_130, %add3A_113 : vector<16xf32>
    %add3A_132 = arith.addf %add3A_81, %mul3A_131 : vector<16xf32>
    %dma_wait3A_133 = tpu.memref_slice %arg2[%mul3A_41] : memref<2000000xf32, #tpu.memory_space<hbm>> -> memref<8000xf32, #tpu.memory_space<hbm>>
    %dma_wait3A_134 = tpu.memref_slice %arg2[%mul3A_41] : memref<2000000xf32, #tpu.memory_space<hbm>> -> memref<8000xf32, #tpu.memory_space<hbm>>
    tpu.wait_dma2 semaphore(%arg17 : memref<!tpu.dma_semaphore, #tpu.memory_space<semaphore_mem>>) src(%dma_wait3A_134 : memref<8000xf32, #tpu.memory_space<hbm>>) dst(%arg7 : memref<8000xf32, #tpu.memory_space<vmem>>)
    %dma_wait3A_135 = tpu.memref_slice %arg2[%add3A_47] : memref<2000000xf32, #tpu.memory_space<hbm>> -> memref<8000xf32, #tpu.memory_space<hbm>>
    %dma_wait3A_136 = tpu.memref_slice %arg2[%add3A_47] : memref<2000000xf32, #tpu.memory_space<hbm>> -> memref<8000xf32, #tpu.memory_space<hbm>>
    tpu.wait_dma2 semaphore(%arg20 : memref<!tpu.dma_semaphore, #tpu.memory_space<semaphore_mem>>) src(%dma_wait3A_136 : memref<8000xf32, #tpu.memory_space<hbm>>) dst(%arg10 : memref<8000xf32, #tpu.memory_space<vmem>>)
    %dma_wait3A_137 = tpu.memref_slice %arg3[%mul3A_51] : memref<1000000xi32, #tpu.memory_space<hbm>> -> memref<8000xi32, #tpu.memory_space<hbm>>
    %dma_wait3A_138 = tpu.memref_slice %arg3[%mul3A_51] : memref<1000000xi32, #tpu.memory_space<hbm>> -> memref<8000xi32, #tpu.memory_space<hbm>>
    tpu.wait_dma2 semaphore(%arg23 : memref<!tpu.dma_semaphore, #tpu.memory_space<semaphore_mem>>) src(%dma_wait3A_138 : memref<8000xi32, #tpu.memory_space<hbm>>) dst(%arg13 : memref<8000xi32, #tpu.memory_space<vmem>>)
    %parallel_loop3A_139 = arith.constant 0 : i32
    %parallel_loop3A_140 = arith.constant 500 : i32
    %parallel_loop3A_141 = arith.constant 2 : i32
    %parallel_loop3A_142:8 = scf.for %parallel_loop3A_206 = %parallel_loop3A_139 to %parallel_loop3A_140 step %parallel_loop3A_141 iter_args(%parallel_loop3A_207 = %broadcast_in_dim3A_1, %parallel_loop3A_208 = %broadcast_in_dim3A_1, %parallel_loop3A_209 = %broadcast_in_dim3A_1, %parallel_loop3A_210 = %broadcast_in_dim3A_1, %parallel_loop3A_211 = %broadcast_in_dim3A_1, %parallel_loop3A_212 = %broadcast_in_dim3A_1, %parallel_loop3A_213 = %broadcast_in_dim3A_1, %parallel_loop3A_214 = %broadcast_in_dim3A_1) -> (vector<16xf32>, vector<16xf32>, vector<16xf32>, vector<16xf32>, vector<16xf32>, vector<16xf32>, vector<16xf32>, vector<16xf32>)  : i32 {
      %parallel_loop3A_215 = arith.constant 16 : i32
      %parallel_loop3A_216 = arith.muli %parallel_loop3A_206, %parallel_loop3A_215 : i32
      %parallel_loop3A_217 = arith.index_cast %parallel_loop3A_216 : i32 to index
      %parallel_loop3A_218 = tpu.vector_load %arg13[%parallel_loop3A_217] {strides = array<i32>} : memref<8000xi32, #tpu.memory_space<vmem>>, vector<16xi32>,
      %parallel_loop3A_219 = arith.index_cast %parallel_loop3A_216 : i32 to index
      %parallel_loop3A_220 = tpu.vector_load %arg7[%parallel_loop3A_219] {strides = array<i32>} : memref<8000xf32, #tpu.memory_space<vmem>>, vector<16xf32>,
      %parallel_loop3A_221 = arith.index_cast %parallel_loop3A_216 : i32 to index
      %parallel_loop3A_222 = tpu.vector_load %arg10[%parallel_loop3A_221] {strides = array<i32>} : memref<8000xf32, #tpu.memory_space<vmem>>, vector<16xf32>,
      %parallel_loop3A_223 = arith.sitofp %parallel_loop3A_218 : vector<16xi32> to vector<16xf32>
      %parallel_loop3A_224 = arith.mulf %parallel_loop3A_223, %parallel_loop3A_222 : vector<16xf32>
      %parallel_loop3A_225 = arith.addf %parallel_loop3A_207, %parallel_loop3A_224 : vector<16xf32>
      %parallel_loop3A_226 = arith.addf %parallel_loop3A_208, %parallel_loop3A_220 : vector<16xf32>
      %parallel_loop3A_227 = arith.mulf %parallel_loop3A_223, %parallel_loop3A_220 : vector<16xf32>
      %parallel_loop3A_228 = arith.addf %parallel_loop3A_209, %parallel_loop3A_227 : vector<16xf32>
      %parallel_loop3A_229 = arith.addf %parallel_loop3A_210, %parallel_loop3A_223 : vector<16xf32>
      %parallel_loop3A_230 = arith.constant 1 : i32
      %parallel_loop3A_231 = arith.addi %parallel_loop3A_206, %parallel_loop3A_230 : i32
      %parallel_loop3A_232 = arith.constant 16 : i32
      %parallel_loop3A_233 = arith.muli %parallel_loop3A_231, %parallel_loop3A_232 : i32
      %parallel_loop3A_234 = arith.index_cast %parallel_loop3A_233 : i32 to index
      %parallel_loop3A_235 = tpu.vector_load %arg13[%parallel_loop3A_234] {strides = array<i32>} : memref<8000xi32, #tpu.memory_space<vmem>>, vector<16xi32>,
      %parallel_loop3A_236 = arith.index_cast %parallel_loop3A_233 : i32 to index
      %parallel_loop3A_237 = tpu.vector_load %arg7[%parallel_loop3A_236] {strides = array<i32>} : memref<8000xf32, #tpu.memory_space<vmem>>, vector<16xf32>,
      %parallel_loop3A_238 = arith.index_cast %parallel_loop3A_233 : i32 to index
      %parallel_loop3A_239 = tpu.vector_load %arg10[%parallel_loop3A_238] {strides = array<i32>} : memref<8000xf32, #tpu.memory_space<vmem>>, vector<16xf32>,
      %parallel_loop3A_240 = arith.sitofp %parallel_loop3A_235 : vector<16xi32> to vector<16xf32>
      %parallel_loop3A_241 = arith.mulf %parallel_loop3A_240, %parallel_loop3A_239 : vector<16xf32>
      %parallel_loop3A_242 = arith.addf %parallel_loop3A_211, %parallel_loop3A_241 : vector<16xf32>
      %parallel_loop3A_243 = arith.addf %parallel_loop3A_212, %parallel_loop3A_237 : vector<16xf32>
      %parallel_loop3A_244 = arith.mulf %parallel_loop3A_240, %parallel_loop3A_237 : vector<16xf32>
      %parallel_loop3A_245 = arith.addf %parallel_loop3A_213, %parallel_loop3A_244 : vector<16xf32>
      %parallel_loop3A_246 = arith.addf %parallel_loop3A_214, %parallel_loop3A_240 : vector<16xf32>
      scf.yield %parallel_loop3A_225, %parallel_loop3A_226, %parallel_loop3A_228, %parallel_loop3A_229, %parallel_loop3A_242, %parallel_loop3A_243, %parallel_loop3A_245, %parallel_loop3A_246 : vector<16xf32>, vector<16xf32>, vector<16xf32>, vector<16xf32>, vector<16xf32>, vector<16xf32>, vector<16xf32>, vector<16xf32>
    } {sc.loop_unroll_factor = 5 : i64, sc.parallel_access}
    %add3A_143 = arith.addf %parallel_loop3A_142#0, %parallel_loop3A_142#4 : vector<16xf32>
    %add3A_144 = arith.addf %parallel_loop3A_142#1, %parallel_loop3A_142#5 : vector<16xf32>
    %add3A_145 = arith.addf %parallel_loop3A_142#2, %parallel_loop3A_142#6 : vector<16xf32>
    %add3A_146 = arith.addf %parallel_loop3A_142#3, %parallel_loop3A_142#7 : vector<16xf32>
    %add3A_147 = arith.constant 64 : i32
    %add3A_148 = arith.addi %add3A, %add3A_147 : i32
    %lt3A_149 = arith.constant 125 : i32
    %lt3A_150 = arith.cmpi slt, %add3A_148, %lt3A_149 : i32
    %jit3A_151 = arith.constant 1.000000e+00 : f32
    %jit3A_152 = arith.constant 0.000000e+00 : f32
    %select_n3A_153 = arith.select %lt3A_150, %jit3A_151, %jit3A_152 : f32
    %mul3A_154 = vector.broadcast %select_n3A_153 : f32 to vector<16xf32>
    %mul3A_155 = arith.mulf %mul3A_154, %add3A_143 : vector<16xf32>
    %add3A_156 = arith.addf %add3A_123, %mul3A_155 : vector<16xf32>
    %mul3A_157 = vector.broadcast %select_n3A_153 : f32 to vector<16xf32>
    %mul3A_158 = arith.mulf %mul3A_157, %add3A_144 : vector<16xf32>
    %add3A_159 = arith.addf %add3A_126, %mul3A_158 : vector<16xf32>
    %mul3A_160 = vector.broadcast %select_n3A_153 : f32 to vector<16xf32>
    %mul3A_161 = arith.mulf %mul3A_160, %add3A_145 : vector<16xf32>
    %add3A_162 = arith.addf %add3A_129, %mul3A_161 : vector<16xf32>
    %mul3A_163 = vector.broadcast %select_n3A_153 : f32 to vector<16xf32>
    %mul3A_164 = arith.mulf %mul3A_163, %add3A_146 : vector<16xf32>
    %add3A_165 = arith.addf %add3A_132, %mul3A_164 : vector<16xf32>
    %dma_wait3A_166 = tpu.memref_slice %arg2[%mul3A_87] : memref<2000000xf32, #tpu.memory_space<hbm>> -> memref<8000xf32, #tpu.memory_space<hbm>>
    %dma_wait3A_167 = tpu.memref_slice %arg2[%mul3A_87] : memref<2000000xf32, #tpu.memory_space<hbm>> -> memref<8000xf32, #tpu.memory_space<hbm>>
    tpu.wait_dma2 semaphore(%arg15 : memref<!tpu.dma_semaphore, #tpu.memory_space<semaphore_mem>>) src(%dma_wait3A_167 : memref<8000xf32, #tpu.memory_space<hbm>>) dst(%arg5 : memref<8000xf32, #tpu.memory_space<vmem>>)
    %dma_wait3A_168 = tpu.memref_slice %arg2[%add3A_93] : memref<2000000xf32, #tpu.memory_space<hbm>> -> memref<8000xf32, #tpu.memory_space<hbm>>
    %dma_wait3A_169 = tpu.memref_slice %arg2[%add3A_93] : memref<2000000xf32, #tpu.memory_space<hbm>> -> memref<8000xf32, #tpu.memory_space<hbm>>
    tpu.wait_dma2 semaphore(%arg18 : memref<!tpu.dma_semaphore, #tpu.memory_space<semaphore_mem>>) src(%dma_wait3A_169 : memref<8000xf32, #tpu.memory_space<hbm>>) dst(%arg8 : memref<8000xf32, #tpu.memory_space<vmem>>)
    %dma_wait3A_170 = tpu.memref_slice %arg3[%mul3A_97] : memref<1000000xi32, #tpu.memory_space<hbm>> -> memref<8000xi32, #tpu.memory_space<hbm>>
    %dma_wait3A_171 = tpu.memref_slice %arg3[%mul3A_97] : memref<1000000xi32, #tpu.memory_space<hbm>> -> memref<8000xi32, #tpu.memory_space<hbm>>
    tpu.wait_dma2 semaphore(%arg21 : memref<!tpu.dma_semaphore, #tpu.memory_space<semaphore_mem>>) src(%dma_wait3A_171 : memref<8000xi32, #tpu.memory_space<hbm>>) dst(%arg11 : memref<8000xi32, #tpu.memory_space<vmem>>)
    %parallel_loop3A_172 = arith.constant 0 : i32
    %parallel_loop3A_173 = arith.constant 500 : i32
    %parallel_loop3A_174 = arith.constant 2 : i32
    %parallel_loop3A_175:8 = scf.for %parallel_loop3A_206 = %parallel_loop3A_172 to %parallel_loop3A_173 step %parallel_loop3A_174 iter_args(%parallel_loop3A_207 = %broadcast_in_dim3A_1, %parallel_loop3A_208 = %broadcast_in_dim3A_1, %parallel_loop3A_209 = %broadcast_in_dim3A_1, %parallel_loop3A_210 = %broadcast_in_dim3A_1, %parallel_loop3A_211 = %broadcast_in_dim3A_1, %parallel_loop3A_212 = %broadcast_in_dim3A_1, %parallel_loop3A_213 = %broadcast_in_dim3A_1, %parallel_loop3A_214 = %broadcast_in_dim3A_1) -> (vector<16xf32>, vector<16xf32>, vector<16xf32>, vector<16xf32>, vector<16xf32>, vector<16xf32>, vector<16xf32>, vector<16xf32>)  : i32 {
      %parallel_loop3A_215 = arith.constant 16 : i32
      %parallel_loop3A_216 = arith.muli %parallel_loop3A_206, %parallel_loop3A_215 : i32
      %parallel_loop3A_217 = arith.index_cast %parallel_loop3A_216 : i32 to index
      %parallel_loop3A_218 = tpu.vector_load %arg11[%parallel_loop3A_217] {strides = array<i32>} : memref<8000xi32, #tpu.memory_space<vmem>>, vector<16xi32>,
      %parallel_loop3A_219 = arith.index_cast %parallel_loop3A_216 : i32 to index
      %parallel_loop3A_220 = tpu.vector_load %arg5[%parallel_loop3A_219] {strides = array<i32>} : memref<8000xf32, #tpu.memory_space<vmem>>, vector<16xf32>,
      %parallel_loop3A_221 = arith.index_cast %parallel_loop3A_216 : i32 to index
      %parallel_loop3A_222 = tpu.vector_load %arg8[%parallel_loop3A_221] {strides = array<i32>} : memref<8000xf32, #tpu.memory_space<vmem>>, vector<16xf32>,
      %parallel_loop3A_223 = arith.sitofp %parallel_loop3A_218 : vector<16xi32> to vector<16xf32>
      %parallel_loop3A_224 = arith.mulf %parallel_loop3A_223, %parallel_loop3A_222 : vector<16xf32>
      %parallel_loop3A_225 = arith.addf %parallel_loop3A_207, %parallel_loop3A_224 : vector<16xf32>
      %parallel_loop3A_226 = arith.addf %parallel_loop3A_208, %parallel_loop3A_220 : vector<16xf32>
      %parallel_loop3A_227 = arith.mulf %parallel_loop3A_223, %parallel_loop3A_220 : vector<16xf32>
      %parallel_loop3A_228 = arith.addf %parallel_loop3A_209, %parallel_loop3A_227 : vector<16xf32>
      %parallel_loop3A_229 = arith.addf %parallel_loop3A_210, %parallel_loop3A_223 : vector<16xf32>
      %parallel_loop3A_230 = arith.constant 1 : i32
      %parallel_loop3A_231 = arith.addi %parallel_loop3A_206, %parallel_loop3A_230 : i32
      %parallel_loop3A_232 = arith.constant 16 : i32
      %parallel_loop3A_233 = arith.muli %parallel_loop3A_231, %parallel_loop3A_232 : i32
      %parallel_loop3A_234 = arith.index_cast %parallel_loop3A_233 : i32 to index
      %parallel_loop3A_235 = tpu.vector_load %arg11[%parallel_loop3A_234] {strides = array<i32>} : memref<8000xi32, #tpu.memory_space<vmem>>, vector<16xi32>,
      %parallel_loop3A_236 = arith.index_cast %parallel_loop3A_233 : i32 to index
      %parallel_loop3A_237 = tpu.vector_load %arg5[%parallel_loop3A_236] {strides = array<i32>} : memref<8000xf32, #tpu.memory_space<vmem>>, vector<16xf32>,
      %parallel_loop3A_238 = arith.index_cast %parallel_loop3A_233 : i32 to index
      %parallel_loop3A_239 = tpu.vector_load %arg8[%parallel_loop3A_238] {strides = array<i32>} : memref<8000xf32, #tpu.memory_space<vmem>>, vector<16xf32>,
      %parallel_loop3A_240 = arith.sitofp %parallel_loop3A_235 : vector<16xi32> to vector<16xf32>
      %parallel_loop3A_241 = arith.mulf %parallel_loop3A_240, %parallel_loop3A_239 : vector<16xf32>
      %parallel_loop3A_242 = arith.addf %parallel_loop3A_211, %parallel_loop3A_241 : vector<16xf32>
      %parallel_loop3A_243 = arith.addf %parallel_loop3A_212, %parallel_loop3A_237 : vector<16xf32>
      %parallel_loop3A_244 = arith.mulf %parallel_loop3A_240, %parallel_loop3A_237 : vector<16xf32>
      %parallel_loop3A_245 = arith.addf %parallel_loop3A_213, %parallel_loop3A_244 : vector<16xf32>
      %parallel_loop3A_246 = arith.addf %parallel_loop3A_214, %parallel_loop3A_240 : vector<16xf32>
      scf.yield %parallel_loop3A_225, %parallel_loop3A_226, %parallel_loop3A_228, %parallel_loop3A_229, %parallel_loop3A_242, %parallel_loop3A_243, %parallel_loop3A_245, %parallel_loop3A_246 : vector<16xf32>, vector<16xf32>, vector<16xf32>, vector<16xf32>, vector<16xf32>, vector<16xf32>, vector<16xf32>, vector<16xf32>
    } {sc.loop_unroll_factor = 5 : i64, sc.parallel_access}
    %add3A_176 = arith.addf %parallel_loop3A_175#0, %parallel_loop3A_175#4 : vector<16xf32>
    %add3A_177 = arith.addf %parallel_loop3A_175#1, %parallel_loop3A_175#5 : vector<16xf32>
    %add3A_178 = arith.addf %parallel_loop3A_175#2, %parallel_loop3A_175#6 : vector<16xf32>
    %add3A_179 = arith.addf %parallel_loop3A_175#3, %parallel_loop3A_175#7 : vector<16xf32>
    %add3A_180 = arith.constant 96 : i32
    %add3A_181 = arith.addi %add3A, %add3A_180 : i32
    %lt3A_182 = arith.constant 125 : i32
    %lt3A_183 = arith.cmpi slt, %add3A_181, %lt3A_182 : i32
    %jit3A_184 = arith.constant 1.000000e+00 : f32
    %jit3A_185 = arith.constant 0.000000e+00 : f32
    %select_n3A_186 = arith.select %lt3A_183, %jit3A_184, %jit3A_185 : f32
    %mul3A_187 = vector.broadcast %select_n3A_186 : f32 to vector<16xf32>
    %mul3A_188 = arith.mulf %mul3A_187, %add3A_176 : vector<16xf32>
    %add3A_189 = arith.addf %add3A_156, %mul3A_188 : vector<16xf32>
    %mul3A_190 = vector.broadcast %select_n3A_186 : f32 to vector<16xf32>
    %mul3A_191 = arith.mulf %mul3A_190, %add3A_177 : vector<16xf32>
    %add3A_192 = arith.addf %add3A_159, %mul3A_191 : vector<16xf32>
    %mul3A_193 = vector.broadcast %select_n3A_186 : f32 to vector<16xf32>
    %mul3A_194 = arith.mulf %mul3A_193, %add3A_178 : vector<16xf32>
    %add3A_195 = arith.addf %add3A_162, %mul3A_194 : vector<16xf32>
    %mul3A_196 = vector.broadcast %select_n3A_186 : f32 to vector<16xf32>
    %mul3A_197 = arith.mulf %mul3A_196, %add3A_179 : vector<16xf32>
    %add3A_198 = arith.addf %add3A_165, %mul3A_197 : vector<16xf32>
    %swap3A = arith.constant 0 : index
    %swap3A_199 = tpu.vector_load %arg14[%swap3A] {strides = array<i32>} : memref<64xf32, #tpu.memory_space<vmem>>, vector<16xf32>,
    tpu.vector_store %arg14[%swap3A], %add3A_189 {strides = array<i32>} : memref<64xf32, #tpu.memory_space<vmem>>, vector<16xf32>,
    %swap3A_200 = arith.constant 16 : index
    %swap3A_201 = tpu.vector_load %arg14[%swap3A_200] {strides = array<i32>} : memref<64xf32, #tpu.memory_space<vmem>>, vector<16xf32>,
    tpu.vector_store %arg14[%swap3A_200], %add3A_192 {strides = array<i32>} : memref<64xf32, #tpu.memory_space<vmem>>, vector<16xf32>,
    %swap3A_202 = arith.constant 32 : index
    %swap3A_203 = tpu.vector_load %arg14[%swap3A_202] {strides = array<i32>} : memref<64xf32, #tpu.memory_space<vmem>>, vector<16xf32>,
    tpu.vector_store %arg14[%swap3A_202], %add3A_195 {strides = array<i32>} : memref<64xf32, #tpu.memory_space<vmem>>, vector<16xf32>,
    %swap3A_204 = arith.constant 48 : index
    %swap3A_205 = tpu.vector_load %arg14[%swap3A_204] {strides = array<i32>} : memref<64xf32, #tpu.memory_space<vmem>>, vector<16xf32>,
    tpu.vector_store %arg14[%swap3A_204], %add3A_198 {strides = array<i32>} : memref<64xf32, #tpu.memory_space<vmem>>, vector<16xf32>,
    "tpu.region"() ({
      %run_scoped3A = tpu.sem_alloc : memref<!tpu.dma_semaphore, #tpu.memory_space<semaphore_mem>>
      %dma_start3A_206 = arith.constant 0 : i32
      %dma_start3A_207 = tpu.memref_slice %arg4[%add3A, %dma_start3A_206] : memref<32x64xf32, #tpu.memory_space<hbm>> -> memref<1x64xf32, #tpu.memory_space<hbm>>
      %dma_start3A_208 = tpu.memref_squeeze %dma_start3A_207 : memref<1x64xf32, #tpu.memory_space<hbm>> -> memref<64xf32, #tpu.memory_space<hbm>>
      %dma_start3A_209 = arith.constant 0 : i32
      %dma_start3A_210 = tpu.memref_slice %arg4[%add3A, %dma_start3A_209] : memref<32x64xf32, #tpu.memory_space<hbm>> -> memref<1x64xf32, #tpu.memory_space<hbm>>
      %dma_start3A_211 = tpu.memref_squeeze %dma_start3A_210 : memref<1x64xf32, #tpu.memory_space<hbm>> -> memref<64xf32, #tpu.memory_space<hbm>>
      tpu.enqueue_dma source(%arg14 : memref<64xf32, #tpu.memory_space<vmem>>) target(%dma_start3A_211 : memref<64xf32, #tpu.memory_space<hbm>>) target_semaphore(%run_scoped3A : memref<!tpu.dma_semaphore, #tpu.memory_space<semaphore_mem>>)
      %dma_wait3A_212 = arith.constant 0 : i32
      %dma_wait3A_213 = tpu.memref_slice %arg4[%add3A, %dma_wait3A_212] : memref<32x64xf32, #tpu.memory_space<hbm>> -> memref<1x64xf32, #tpu.memory_space<hbm>>
      %dma_wait3A_214 = tpu.memref_squeeze %dma_wait3A_213 : memref<1x64xf32, #tpu.memory_space<hbm>> -> memref<64xf32, #tpu.memory_space<hbm>>
      %dma_wait3A_215 = arith.constant 0 : i32
      %dma_wait3A_216 = tpu.memref_slice %arg4[%add3A, %dma_wait3A_215] : memref<32x64xf32, #tpu.memory_space<hbm>> -> memref<1x64xf32, #tpu.memory_space<hbm>>
      %dma_wait3A_217 = tpu.memref_squeeze %dma_wait3A_216 : memref<1x64xf32, #tpu.memory_space<hbm>> -> memref<64xf32, #tpu.memory_space<hbm>>
      tpu.wait_dma2 semaphore(%run_scoped3A : memref<!tpu.dma_semaphore, #tpu.memory_space<semaphore_mem>>) src(%arg14 : memref<64xf32, #tpu.memory_space<vmem>>) dst(%dma_wait3A_217 : memref<64xf32, #tpu.memory_space<hbm>>)
      tpu.yield
    }) : () -> ()
    return
  }
}

</mosaic_0001>

<sc_bundles>
// kernel: kernel.3.cloned.1.call-start
scs
__scs_entry_jumppad:
0x0: {  	(pc) =	sbr.rel $0x88, $3  }
0x1: {  	(tag) =	ssettag $0x0;
	lr =	simm.s32 $0x1  }
0x2: {  	[smem:$0x3F9F] =	sst lr;
	_ =	strace $0xD0000000  }
0x3: {  	_ = 	snop  }
0x4: {  	_ = 	snop  }
0x5: {  	_ = 	snop  }
0x6: {  	_ = 	snop  }
0x7: {  	_ = 	snop  }
__scs_overlays_trampoline_lowered:
0x8: {  	[smem:$0x3FAE] =	sst s0  }
0x9: {  	[smem:$0x3FAF] =	sst s1  }
0xa: {  	[smem:$0x3FB0] =	sst s2  }
0xb: {  	[smem:$0x3FB1] =	sst s3  }
0xc: {  	[smem:$0x3FB2] =	sst s4  }
0xd: {  	[smem:$0x3FB3] =	sst s5  }
0xe: {  	[smem:$0x3FB4] =	sst s6  }
0xf: {  	[smem:$0x3FB5] =	sst s7  }
0x10: {  	[smem:$0x3FB6] =	sst s8  }
0x11: {  	[smem:$0x3FB7] =	sst s9;
	s0 =	simm.s32 @!p0 $0x0  }
0x12: {  	s1 =	sld [smem:$0x3F9D];
	s0 =	simm.s32 @p0 $0x1  }
0x13: {  	[smem:$0x3FB8] =	sst s0;
	s0 =	simm.s32 @!p1 $0x0  }
0x14: {  	s2 =	sld [smem:$0x3F9C];
	s0 =	simm.s32 @p1 $0x1  }
0x15: {  	[smem:$0x3FB9] =	sst s0;
	s0 =	simm.s32 @!p2 $0x0  }
0x16: {  	s3 =	sld [smem:$0x3FDB];
	s0 =	simm.s32 @p2 $0x1  }
0x17: {  	s4 =	simm.s32 $0x1BF5;
	[smem:$0x3FBB] =	sst s0  }
0x18: {  	s0 =	sld [smem:$0x3F9E];
	_ =	swait.ge [sflag:s4], $0x0  }
0x19: {  	s7 =	sld [smem:$0x3F9F]  }
0x1a: {  	s8 =	sadd.s32 $0xFFFFE003, lr  }
0x1b: {  	s9 =	sadd.s32 $0xFFFFFEF7, lr;
	s5 =	simm.s32 $0xFFFFFFFF;
	p2 =	slt.u32 s8, $0xFFFFF086  }
0x1c: {  	p1 =	slt.u32 s9, $0xF7A;
	s5 =	simm.s32 @!p2 $0x0  }
0x1d: {  	s5 =	simm.s32 @p1 $0x1;
	p0 =	seq.s32 s7, s2  }
0x1e: {  	s7 =	smul.u32 @!p0 $0xF7A, s2;
	p2 =	seq.s32 @!p0 s5, $0x0  }
0x1f: {  	s9 =	smul.u32 $0xF7A, s1;
	s8 =	simm.s32 @!p0 $0x1BF5;
	p2 =	por !p2, p0  }
0x20: {  	[sflag:s8] =	ssyncset.s32 @!p0 $0xFFFFF086;
	s6 =	sadd.s32 @!p0 s3, s7;
	s7 =	simm.s32 @!p0 $0x108  }
0x21: {  	s3 =	sadd.s32 s3, s9;
	s6 =	sadd.s32 @!p0 $0x88, s6;
	s7 =	simm.s32 @p2 $0x1082  }
0x22: {  	[simem:s7], [sflag:s8] =	dma.local @!p0 [hbm:s6], $0xF7A  }
0x23: {  	s9 =	sor.u32 $0xD0000000, s2;
	s6 =	simm.s32 $0x108;
	_ =	swait.ge @!p0 [sflag:s8], $0x0  }
0x24: {  	s3 =	sadd.s32 $0x88, s3;
	s6 =	simm.s32 @!p1 $0x1082;
	[sflag:s4] =	ssyncset.s32 $0xFFFFF086  }
0x25: {  	[simem:s6], [sflag:s4] =	dma.local [hbm:s3], $0xF7A  }
0x26: {  	[smem:$0x3F9F] =	sst s1;
	(tag) =	ssettag s2;
	_ =	strace s9  }
0x27: {  	s1 =	sld [smem:$0x3FAF]  }
0x28: {  	s2 =	sld [smem:$0x3FB0]  }
0x29: {  	s4 =	sld [smem:$0x3FB2]  }
0x2a: {  	p0 =	seq.s32 s5, $0x0;
	s5 =	sld [smem:$0x3FB3]  }
0x2b: {  	s6 =	sld [smem:$0x3FB4]  }
0x2c: {  	s7 =	sld [smem:$0x3FB5]  }
0x2d: {  	s3 =	simm.s32 $0x108;
	s8 =	sld [smem:$0x3FB6]  }
0x2e: {  	s3 =	simm.s32 @!p0 $0x1082;
	s9 =	sld [smem:$0x3FB7]  }
0x2f: {  	lr =	sadd.s32 s0, s3;
	s0 =	sld [smem:$0x3FAE]  }
0x30: {  	s3 =	sld [smem:$0x3FB1]  }
0x31: {  	[smem:$0x3FBA] =	sst s10  }
0x32: {  	s10 =	sld [smem:$0x3FB8];
	_ =	sdelay $0x3  }
0x33: {  	p0 =	seq.s32 s10, $0x1;
	s10 =	sld [smem:$0x3FBA];
	_ =	sdelay $0x3  }
0x34: {  	[smem:$0x3FBA] =	sst s10  }
0x35: {  	s10 =	sld [smem:$0x3FB9];
	_ =	sdelay $0x3  }
0x36: {  	p1 =	seq.s32 s10, $0x1;
	s10 =	sld [smem:$0x3FBA];
	_ =	sdelay $0x3  }
0x37: {  	[smem:$0x3FBA] =	sst s10  }
0x38: {  	s10 =	sld [smem:$0x3FBB]  }
0x39: {  	_ = 	snop;
	(pc) =	sbr.ind lr, $3  }
0x3a: {  	_ = 	snop  }
0x3b: {  	_ = 	snop  }
0x3c: {  	p2 =	seq.s32 s10, $0x1;
	s10 =	sld [smem:$0x3FBA]  }
0x3d: {  	_ =	shalt  }
0x3e: {  	_ =	shalt  }
0x3f: {  	_ =	shalt  }
0x40: {  	_ =	shalt  }
0x41: {  	_ =	shalt  }
0x42: {  	_ =	shalt  }
0x43: {  	_ =	shalt  }
0x44: {  	_ =	shalt  }
0x45: {  	_ =	shalt  }
0x46: {  	_ =	shalt  }
0x47: {  	_ =	shalt  }
0x48: {  	_ =	shalt  }
0x49: {  	_ =	shalt  }
0x4a: {  	_ =	shalt  }
0x4b: {  	_ =	shalt  }
0x4c: {  	_ =	shalt  }
0x4d: {  	_ =	shalt  }
0x4e: {  	_ =	shalt  }
0x4f: {  	_ =	shalt  }
0x50: {  	_ =	shalt  }
0x51: {  	_ =	shalt  }
0x52: {  	_ =	shalt  }
0x53: {  	_ =	shalt  }
0x54: {  	_ =	shalt  }
0x55: {  	_ =	shalt  }
0x56: {  	_ =	shalt  }
0x57: {  	_ =	shalt  }
0x58: {  	_ =	shalt  }
0x59: {  	_ =	shalt  }
0x5a: {  	_ =	shalt  }
0x5b: {  	_ =	shalt  }
0x5c: {  	_ =	shalt  }
0x5d: {  	_ =	shalt  }
0x5e: {  	_ =	shalt  }
0x5f: {  	_ =	shalt  }
0x60: {  	_ =	shalt  }
0x61: {  	_ =	shalt  }
0x62: {  	_ =	shalt  }
0x63: {  	_ =	shalt  }
0x64: {  	_ =	shalt  }
0x65: {  	_ =	shalt  }
0x66: {  	_ =	shalt  }
0x67: {  	_ =	shalt  }
0x68: {  	_ =	shalt  }
0x69: {  	_ =	shalt  }
0x6a: {  	_ =	shalt  }
0x6b: {  	_ =	shalt  }
0x6c: {  	_ =	shalt  }
0x6d: {  	_ =	shalt  }
0x6e: {  	_ =	shalt  }
0x6f: {  	_ =	shalt  }
0x70: {  	_ =	shalt  }
0x71: {  	_ =	shalt  }
0x72: {  	_ =	shalt  }
0x73: {  	_ =	shalt  }
0x74: {  	_ =	shalt  }
0x75: {  	_ =	shalt  }
0x76: {  	_ =	shalt  }
0x77: {  	_ =	shalt  }
0x78: {  	_ =	shalt  }
0x79: {  	_ =	shalt  }
0x7a: {  	_ =	shalt  }
0x7b: {  	_ =	shalt  }
0x7c: {  	_ =	shalt  }
0x7d: {  	_ =	shalt  }
0x7e: {  	_ =	shalt  }
0x7f: {  	_ =	shalt  }
0x80: {  	_ =	shalt  }
0x81: {  	_ =	shalt  }
0x82: {  	_ =	shalt  }
0x83: {  	_ =	shalt  }
0x84: {  	_ =	shalt  }
0x85: {  	_ =	shalt  }
0x86: {  	_ =	shalt  }
0x87: {  	_ =	shalt  }
.Lfunc_end0:
.L_simem_size_0:
called_computation_lowered:
.L_overlay_start_0:
0x88: {  	s2 =	sld [smem:$0x3FD9]  }
0x89: {  	s3 =	sld [smem:$0x3FFE];
	_ =	sdelay $0x1  }
0x8a: {  	s1 =	srdreg.scid  }
0x8b: {  	s0 =	sand.u32 $0x1, s1  }
0x8c: {  	s17 =	sshll.u32 s0, $0xA;
	s2 =	sadd.s32 s3, s2  }
0x8d: {  	s2 =	sadd.s32 s2, s17  }
0x8e: {  	[smem:$0x3FC6] =	sst s2  }
0x8f: {  	_ = 	snop  }
0x90: {  	s2 =	sld [smem:$0x3FC8];
	(tm) =	ssettm $0x1  }
0x91: {  	s18 =	sld [smem:$0x3FFB];
	_ =	sdelay $0x3  }
0x92: {  	_ =	strace s18  }
0x93: {  	s3 =	sld [smem:$0x3FFC];
	_ =	sdelay $0x3  }
0x94: {  	_ =	strace s3  }
0x95: {  	s3 =	sld [smem:$0x3FFD];
	_ =	sdelay $0x3  }
0x96: {  	_ =	strace s3  }
0x97: {  	_ =	strace $0x8FFFFFFF  }
0x98: {  	s19 =	sld [smem:$0x3FDB];
	_ =	sdelay $0x1  }
0x99: {  	s4 =	simm.s32 $_scs_section_size  }
0x9a: {  	s5 =	simm.s32 $_size__tile_overlayer_lowered;
	s6 =	simm.s32 $_tile_overlayer_lowered  }
0x9b: {  	s22 =	simm.s32 $0x1BFF;
	s21 =	sshll.u32 s6, $0x1;
	s3 =	sadd.s32 s4, s19  }
0x9c: {  	s7 =	simm.s32 $0x0;
	s20 =	sshll.u32 s5, $0x1;
	s5 =	sadd.s32 s21, s3  }
0x9d: {  	[timem:s7], [sflag:s22] =	dma.local [hbm:s5], s20  }
0x9e: {  	_ =	swait.ge [sflag:s22], s20  }
0x9f: {  	s4 =	ssub.s32 $0x0, s20;
	[sflag:s22] =	ssyncset.done $0x0  }
0xa0: {  	[sflag:s22] =	ssyncadd.s32 s4;
	_ =	sdelay $0x1  }
0xa1: {  	s23 =	simm.s32 $0x1B8B  }
0xa2: {  	_ =	swait.ge [sflag:s23], $0x1  }
0xa3: {  	[sflag:s23] =	ssyncset.done $0x0  }
0xa4: {  	s25 =	simm.s32 $0x1B8E;
	s24 =	sld [smem:$0x3FFE];
	[sflag:s23] =	ssyncadd.s32 $0xFFFFFFFF  }
0xa5: {  	s26 =	simm.s32 $execute0_lowered;
	[smem:$0x3FD2] =	sst s25  }
0xa6: {  	s5 =	sshll.u32 s26, $0x1;
	_ =	strace $0x80000046;
	[dreg:$0x1] =	wrdreg $0xFFFFFFFF  }
0xa7: {  	s28 =	simm.s32 $_size_execute0_lowered;
	s3 =	sadd.s32 s3, s5;
	[dreg:$0x0] =	wrdreg $0x0  }
0xa8: {  	s5 =	sshll.u32 s28, $0x1;
	[dreg:$0x2] =	wrdreg s3  }
0xa9: {  	[dreg:$0x3] =	wrdreg s5  }
0xaa: {  	[dreg:$0x4] =	wrdreg $0xC0  }
0xab: {  	_ =	task [dreg:s7], $0x5FFFF  }
0xac: {  	[dreg:$0x1] =	wrdreg $0xFFFFFFFF  }
0xad: {  	[dreg:$0x0] =	wrdreg $0x60  }
0xae: {  	[dreg:$0x2] =	wrdreg s24  }
0xaf: {  	[dreg:$0x3] =	wrdreg s2  }
0xb0: {  	[dreg:$0x4] =	wrdreg $0x9  }
0xb1: {  	_ =	task.clear_ibuf [dreg:s7], $0x5FFFF;
	_ =	strace $0x90000046  }
0xb2: {  	s29 =	simm.s32 $0x9;
	_ =	strace $0x80000048  }
0xb3: {  	_ =	swait.ge [sflag:s29], $0x1  }
0xb4: {  	[sflag:s29] =	ssyncadd.s32 $0xFFFFFFFF  }
0xb5: {  	_ =	strace $0x90000048  }
0xb6: {  	_ =	sfence  }
0xb7: {  	s30 =	sld [smem:$0x0];
	_ =	sdelay $0x2  }
0xb8: {  	s31 =	sshll.u32 s1, $0xD;
	s1 =	sshrl.u32 s1, $0x2  }
0xb9: {  	s3 =	sand.u32 $0x4000, s31;
	s1 =	sadd.s32 s1, s30  }
0xba: {  	s0 =	sor.u32 s3, s0;
	s1 =	sshll.u32 s1, $0x11  }
0xbb: {  	s0 =	sor.u32 s1, s0  }
0xbc: {  	s0 =	sadd.s32 $0x8F2B, s0  }
0xbd: {  	[sflag:s0] =	ssyncadd.remote.s32 $0x1  }
0xbe: {  	_ =	sfence.sel $0xFFFF  }
0xbf: {  	[dreg:$0x0] =	wrdreg $0xFFFFFFFF;
	(pc) =	sbr.abs _section_cstart, $3  }
0xc0: {  	[dreg:$0x1] =	wrdreg $0xFFFFFFFF  }
0xc1: {  	_ =	task.clear_ibuf [dreg:s7], $0x2FFFF;
	_ =	strace $0x9FFFFFFF  }
0xc2: {  	(tm) =	ssettm $0x7FFFFFFF  }
0xc3: {  	_ =	shalt  }
tec
execute0_lowered:
.L_overlay_start_1:
0x0: {  	(tag) =	ssettag $0x1  }
0x1: {  	s0 =	srdreg.scid;
	s1 =	rddreg [dreg:$0x0]  }
0x2: {  	s4 =	rddreg [dreg:$0x1];
	s5 =	stileid.u32  }
0x3: {  	s2 =	simm.s32 $0x0;
	s20 =	simm.f32 $1.000000000e+00;
	s17 =	simm.s32 $0x5DC0  }
0x4: {  	s18 =	simm.s32 $0xBB80;
	s28 =	simm.s32 $0x7;
	s29 =	simm.s32 $0x2  }
0x5: {  	s30 =	simm.s32 $0x5;
	s31 =	simm.s32 $0x8;
	s19 =	simm.s32 $0x9  }
0x6: {  	s21 =	simm.s32 $0xA;
	s22 =	simm.s32 $0x0;
	s0 =	sand.u32 $0x1, s0  }
0x7: {  	[smem:$0x7FF] =	sst s2;
	s3 =	sshll.u32 s0, $0x4;
	s0 =	ssub.s32 $0x2, s0  }
0x8: {  	_ =	strace $0x80000047;
	s14 =	sor.u32 s5, s3;
	s25 =	sshrl.u32 s0, $0x1  }
0x9: {  	s3 =	smul.u32 $0x1F40, s14;
	s5 =	sshll.u32 s14, $0x3;
	s0 =	ssub.s32 s0, s25  }
0xa: {  	s26 =	smin.u32 s14, $0x1C;
	p0 =	slt.u32 s14, $0x1D;
	s25 =	simm.s32 $0x1  }
0xb: {  	s15 =	sadd.s32 s5, s1;
	s10 =	smul.u32 $0x1F40, s26;
	s20 =	simm.s32 @!p0 $0x0  }
0xc: {  	s26 =	simm.s32 $0x4;
	s9 =	sshrl.u32 s3, $0x3;
	s15 =	sadd.s32 $0x3D200, s15  }
0xd: {  	s3 =	sadd.s32 s1, s9;
	s8 =	sadd.s32 $0x7D00, s9;
	s5 =	sadd.s32 s4, s9  }
0xe: {  	s11 =	sadd.s32 $0xFA00, s9;
	s13 =	sshrl.u32 s10, $0x3;
	s6 =	sadd.s32 $0x1E848, s3  }
0xf: {  	s7 =	sadd.s32 $0x26548, s3;
	s9 =	sadd.s32 s1, s11;
	s10 =	sadd.s32 $0x2E248, s3  }
0x10: {  	s16 =	sadd.s32 $0x17700, s13;
	s11 =	sadd.s32 s4, s11;
	[dreg:$0x3] =	wrdreg s6  }
0x11: {  	s6 =	sadd.s32 s1, s8;
	s8 =	sadd.s32 s4, s8;
	s12 =	sadd.s32 s1, s16  }
0x12: {  	s1 =	sadd.s32 s1, s13;
	s14 =	sadd.s32 s4, s16;
	s16 =	smax.u32 s0, $0x1  }
0x13: {  	v0 =	vmov s20;
	s0 =	simm.s32 $0x3;
	s13 =	sadd.s32 $0x35F48, s1;
	s1 =	simm.s32 $0x6  }
.LBB2_1:
0x14: {  	[tilespmem:s2], [sflag:$0x1] =	stream.linear.gather [hbm4b:s3+s2], $0x1F40, $0x38;
	[tilespmem:$0x11980] =	vst v63  }
0x15: {  	s4 =	rddreg [dreg:$0x3]  }
0x16: {  	[tilespmem:s17], [sflag:$0x4] =	stream.linear.gather [hbm4b:s4+s2], $0x1F40, $0x38;
	[tilespmem:$0x11980] =	vst v63  }
0x17: {  	_ = 	snop  }
0x18: {  	[tilespmem:s18], [sflag:$0x7] =	stream.linear.gather [hbm4b:s5+s2], $0x1F40, $0x38;
	[tilespmem:$0x11980] =	vst v63  }
0x19: {  	s20 =	simm.s32 $0x1F40  }
0x1a: {  	[tilespmem:s20], [sflag:$0x2] =	stream.linear.gather [hbm4b:s6+s2], $0x1F40, $0x38;
	[tilespmem:$0x11980] =	vst v63  }
0x1b: {  	s23 =	simm.s32 $0x7D00  }
0x1c: {  	[tilespmem:s23], [sflag:$0x5] =	stream.linear.gather [hbm4b:s7+s2], $0x1F40, $0x38;
	[tilespmem:$0x11980] =	vst v63  }
0x1d: {  	s24 =	simm.s32 $0xDAC0  }
0x1e: {  	[tilespmem:s24], [sflag:$0x8] =	stream.linear.gather [hbm4b:s8+s2], $0x1F40, $0x38;
	[tilespmem:$0x11980] =	vst v63  }
0x1f: {  	s20 =	simm.s32 $0x3E80  }
0x20: {  	[tilespmem:s20], [sflag:$0x3] =	stream.linear.gather [hbm4b:s9+s2], $0x1F40, $0x38;
	[tilespmem:$0x11980] =	vst v63  }
0x21: {  	s23 =	simm.s32 $0x9C40  }
0x22: {  	[tilespmem:s23], [sflag:$0x6] =	stream.linear.gather [hbm4b:s10+s2], $0x1F40, $0x38;
	[tilespmem:$0x11980] =	vst v63  }
0x23: {  	s24 =	simm.s32 $0xFA00  }
0x24: {  	[tilespmem:s24], [sflag:$0x9] =	stream.linear.gather [hbm4b:s11+s2], $0x1F40, $0x38;
	[tilespmem:$0x11980] =	vst v63  }
0x25: {  	_ =	swait.ge [sflag:s25], $0x1F40  }
0x26: {  	[sflag:s25] =	ssyncset.done $0x0  }
0x27: {  	[sflag:s25] =	ssyncadd.s32 $0xFFFFE0C0  }
0x28: {  	_ =	swait.ge [sflag:s26], $0x1F40  }
0x29: {  	[sflag:s26] =	ssyncset.done $0x0  }
0x2a: {  	[sflag:s26] =	ssyncadd.s32 $0xFFFFE0C0  }
0x2b: {  	_ =	swait.ge [sflag:s28], $0x1F40  }
0x2c: {  	[sflag:s28] =	ssyncset.done $0x0  }
0x2d: {  	s20 =	simm.s32 $0xBBD0;
	[sflag:s28] =	ssyncadd.s32 $0xFFFFE0C0  }
0x2e: {  	v1 =	vld [tilespmem:s20+$0x30]  }
0x2f: {  	v2 =	vld [tilespmem:s20+$0x40]  }
0x30: {  	v3 =	vld [tilespmem:s20+$0x10]  }
0x31: {  	v4 =	vld [tilespmem:s20+$0x20]  }
0x32: {  	v6 =	vld [tilespmem:s20+$0xFFFFFFF0]  }
0x33: {  	s23 =	simm.s32 $0x50;
	v7 =	vld [tilespmem:s20+$0x0]  }
0x34: {  	s24 =	simm.s32 $0x5E10;
	v9 =	vld [tilespmem:s23+$0xFFFFFFB0]  }
0x35: {  	v10 =	vld [tilespmem:s24+$0xFFFFFFB0]  }
0x36: {  	v11 =	vld [tilespmem:s20+$0xFFFFFFB0]  }
0x37: {  	v12 =	vld [tilespmem:s20+$0xFFFFFFD0]  }
0x38: {  	v13 =	vld [tilespmem:s20+$0xFFFFFFE0]  }
0x39: {  	v14 =	vld [tilespmem:s20+$0xFFFFFFC0];
	v15 =	vcvt.s32.f32 v1  }
0x3a: {  	v16 =	vld [tilespmem:s24+$0xFFFFFFF0];
	v8 =	vcvt.s32.f32 v2;
	v2 =	vcvt.s32.f32 v3  }
0x3b: {  	v1 =	vld [tilespmem:s24+$0xFFFFFFD0];
	v5 =	vcvt.s32.f32 v4;
	v3 =	vcvt.s32.f32 v11  }
0x3c: {  	v4 =	vld [tilespmem:s23+$0xFFFFFFD0];
	v11 =	vcvt.s32.f32 v6;
	v12 =	vcvt.s32.f32 v12  }
0x3d: {  	v17 =	vimm.f32 $0.0e+00;
	v20 =	vld [tilespmem:s23+$0x10];
	v6 =	vcvt.s32.f32 v7;
	v7 =	vcvt.s32.f32 v13  }
0x3e: {  	v13 =	vld [tilespmem:s23+$0xFFFFFFF0];
	v10 =	vmul.f32 v3, v10;
	v18 =	vmul.f32 v3, v9;
	v3 =	vadd.f32 v3, v17  }
0x3f: {  	v62 =	vld [tilespmem:s23+$0xFFFFFFC0];
	v9 =	vadd.f32 v9, v17  }
0x40: {  	v19 =	vcvt.s32.f32 v14;
	v14 =	vld [tilespmem:s24+$0x10];
	v10 =	vadd.f32 v10, v17;
	v3 =	vadd.f32 v12, v3  }
0x41: {  	v22 =	vld [tilespmem:s24+$0x30];
	v18 =	vadd.f32 v18, v17;
	v1 =	vmul.f32 v12, v1;
	v21 =	vmul.f32 v12, v4  }
0x42: {  	v4 =	vadd.f32 v4, v9;
	v9 =	vmul.f32 v11, v16;
	v16 =	vld [tilespmem:s23+$0x30];
	v3 =	vadd.f32 v11, v3  }
0x43: {  	v12 =	vmul.f32 v11, v13;
	v1 =	vadd.f32 v1, v10;
	v10 =	vld [tilespmem:s24+$0xFFFFFFC0];
	v18 =	vadd.f32 v21, v18  }
0x44: {  	v4 =	vadd.f32 v13, v4;
	v21 =	vadd.f32 v62, v17  }
0x45: {  	v13 =	vld [tilespmem:s24+$0xFFFFFFE0];
	v1 =	vadd.f32 v9, v1;
	v9 =	vmul.f32 v2, v14;
	v12 =	vadd.f32 v12, v18  }
0x46: {  	v23 =	vld [tilespmem:s23+$0xFFFFFFE0];
	v11 =	vmul.f32 v2, v20;
	v4 =	vadd.f32 v20, v4;
	v14 =	vadd.f32 v2, v3  }
0x47: {  	v20 =	vld [tilespmem:s24+$0x0];
	v3 =	vmul.f32 v15, v16;
	v1 =	vadd.f32 v9, v1;
	v9 =	vmul.f32 v15, v22  }
0x48: {  	v11 =	vadd.f32 v11, v12;
	v2 =	vadd.f32 v16, v4;
	v18 =	vmul.f32 v19, v10;
	v10 =	vld [tilespmem:s23+$0x0]  }
0x49: {  	v12 =	vld [tilespmem:s24+$0x20];
	v4 =	vadd.f32 v15, v14;
	v1 =	vadd.f32 v9, v1;
	v9 =	vmul.f32 v19, v62  }
0x4a: {  	v63 =	vmul.f32 v7, v13;
	v3 =	vadd.f32 v3, v11;
	v11 =	vld [tilespmem:s23+$0x20];
	v16 =	vadd.f32 v18, v17  }
0x4b: {  	v15 =	vadd.f32 v19, v17;
	v13 =	vld [tilespmem:s24+$0x40];
	v18 =	vmul.f32 v7, v23;
	v14 =	vadd.f32 v9, v17  }
0x4c: {  	s4 =	simm.s32 $0xBC70;
	s20 =	simm.s32 $0x0;
	v19 =	vmul.f32 v6, v20;
	v17 =	vadd.f32 v23, v21;
	v9 =	vld [tilespmem:s23+$0x40];
	v16 =	vadd.f32 v63, v16  }
.LBB2_2:
0x4d: {  	v20 =	vld [tilespmem:s4+$0x30];
	v14 =	vadd.f32 v18, v14;
	v7 =	vadd.f32 v7, v15;
	v15 =	vmul.f32 v6, v10  }
0x4e: {  	v18 =	vld [tilespmem:s4+$0x40];
	v16 =	vadd.f32 v19, v16;
	v10 =	vadd.f32 v10, v17;
	v12 =	vmul.f32 v5, v12  }
0x4f: {  	v17 =	vld [tilespmem:s4+$0x10];
	v14 =	vadd.f32 v15, v14;
	v6 =	vadd.f32 v6, v7;
	v7 =	vmul.f32 v5, v11  }
0x50: {  	v15 =	vld [tilespmem:s4+$0x20];
	v12 =	vadd.f32 v12, v16;
	v10 =	vadd.f32 v11, v10;
	v11 =	vmul.f32 v8, v13  }
0x51: {  	v13 =	vld [tilespmem:s4+$0xFFFFFFF0];
	v7 =	vadd.f32 v7, v14;
	v5 =	vadd.f32 v5, v6;
	v6 =	vmul.f32 v8, v9  }
0x52: {  	s23 =	sadd.s32 $0xA0, s23;
	v14 =	vld [tilespmem:s4+$0x0];
	v11 =	vadd.f32 v11, v12;
	v9 =	vadd.f32 v9, v10  }
0x53: {  	s24 =	sadd.s32 $0xA0, s24;
	v10 =	vld [tilespmem:s23+$0xFFFFFFB0];
	v16 =	vadd.f32 v6, v7;
	v19 =	vadd.f32 v8, v5  }
0x54: {  	v7 =	vld [tilespmem:s24+$0xFFFFFFB0]  }
0x55: {  	v6 =	vld [tilespmem:s4+$0xFFFFFFB0]  }
0x56: {  	v12 =	vld [tilespmem:s4+$0xFFFFFFD0]  }
0x57: {  	v21 =	vld [tilespmem:s4+$0xFFFFFFE0]  }
0x58: {  	v20 =	vcvt.s32.f32 v20;
	v8 =	vcvt.s32.f32 v18;
	v22 =	vld [tilespmem:s4+$0xFFFFFFC0]  }
0x59: {  	v17 =	vcvt.s32.f32 v17;
	v5 =	vcvt.s32.f32 v15;
	v18 =	vld [tilespmem:s24+$0xFFFFFFD0]  }
0x5a: {  	v13 =	vcvt.s32.f32 v13;
	v15 =	vcvt.s32.f32 v6;
	v23 =	vld [tilespmem:s23+$0xFFFFFFD0]  }
0x5b: {  	v6 =	vcvt.s32.f32 v14;
	v12 =	vcvt.s32.f32 v12;
	v24 =	vld [tilespmem:s24+$0xFFFFFFF0]  }
0x5c: {  	v14 =	vmul.f32 v15, v7;
	v7 =	vcvt.s32.f32 v21;
	v21 =	vld [tilespmem:s23+$0xFFFFFFF0]  }
0x5d: {  	v25 =	vmul.f32 v15, v10;
	v22 =	vcvt.s32.f32 v22;
	v26 =	vld [tilespmem:s24+$0x10]  }
0x5e: {  	v2 =	vadd.f32 v10, v2;
	v1 =	vadd.f32 v14, v1;
	v10 =	vmul.f32 v12, v18;
	v14 =	vld [tilespmem:s23+$0x10]  }
0x5f: {  	v4 =	vadd.f32 v15, v4;
	v3 =	vadd.f32 v25, v3;
	v15 =	vmul.f32 v12, v23;
	v18 =	vld [tilespmem:s24+$0x30]  }
0x60: {  	s20 =	sadd.s32 $0xA, s20;
	v2 =	vadd.f32 v23, v2;
	v1 =	vadd.f32 v10, v1;
	v10 =	vmul.f32 v13, v24;
	v23 =	vld [tilespmem:s23+$0x30]  }
0x61: {  	p0 =	slt.u32 s20, $0x1EA;
	v4 =	vadd.f32 v12, v4;
	v24 =	vld [tilespmem:s24+$0xFFFFFFC0];
	v3 =	vadd.f32 v15, v3;
	v12 =	vmul.f32 v13, v21  }
0x62: {  	v2 =	vadd.f32 v21, v2;
	v15 =	vld [tilespmem:s23+$0xFFFFFFC0];
	v1 =	vadd.f32 v10, v1;
	v10 =	vmul.f32 v17, v26  }
0x63: {  	v4 =	vadd.f32 v13, v4;
	v21 =	vld [tilespmem:s24+$0xFFFFFFE0];
	v3 =	vadd.f32 v12, v3;
	v12 =	vmul.f32 v17, v14  }
0x64: {  	v2 =	vadd.f32 v14, v2;
	v25 =	vld [tilespmem:s23+$0xFFFFFFE0];
	v1 =	vadd.f32 v10, v1;
	v13 =	vmul.f32 v20, v18  }
0x65: {  	v4 =	vadd.f32 v17, v4;
	v26 =	vld [tilespmem:s24+$0x0];
	v3 =	vadd.f32 v12, v3;
	v14 =	vmul.f32 v20, v23  }
.Ltmp0:
0x66: {  	v2 =	vadd.f32 v23, v2;
	v17 =	vmul.f32 v22, v24;
	v10 =	vld [tilespmem:s23+$0x0];
	v1 =	vadd.f32 v13, v1;
	(pc) =	sbr.rel @p0 .LBB2_2-.Ltmp0, $4  }
0x67: {  	v4 =	vadd.f32 v20, v4;
	v13 =	vmul.f32 v22, v15;
	v12 =	vld [tilespmem:s24+$0x20];
	v3 =	vadd.f32 v14, v3  }
0x68: {  	v9 =	vadd.f32 v15, v9;
	v17 =	vadd.f32 v17, v11;
	v20 =	vmul.f32 v7, v21;
	v11 =	vld [tilespmem:s23+$0x20]  }
0x69: {  	v15 =	vadd.f32 v22, v19;
	v14 =	vadd.f32 v13, v16;
	v18 =	vmul.f32 v7, v25;
	v13 =	vld [tilespmem:s24+$0x40]  }
0x6a: {  	s4 =	sadd.s32 $0xA0, s4;
	v16 =	vadd.f32 v20, v17;
	v17 =	vadd.f32 v25, v9;
	v19 =	vmul.f32 v6, v26;
	v9 =	vld [tilespmem:s23+$0x40]  }
0x6b: {  	[tilespmem:s2], [sflag:$0x1] =	stream.linear.gather [hbm4b:s12+s2], $0x1F40, $0x38;
	[tilespmem:$0x11980] =	vst v63  }
0x6c: {  	_ = 	snop  }
0x6d: {  	[tilespmem:s17], [sflag:$0x4] =	stream.linear.gather [hbm4b:s13+s2], $0x1F40, $0x38;
	[tilespmem:$0x11980] =	vst v63  }
0x6e: {  	_ = 	snop  }
0x6f: {  	[tilespmem:s18], [sflag:$0x7] =	stream.linear.gather [hbm4b:s14+s2], $0x1F40, $0x38;
	[tilespmem:$0x11980] =	vst v63  }
0x70: {  	_ =	swait.ge [sflag:s29], $0x1F40  }
0x71: {  	[sflag:s29] =	ssyncset.done $0x0  }
0x72: {  	[sflag:s29] =	ssyncadd.s32 $0xFFFFE0C0  }
0x73: {  	_ =	swait.ge [sflag:s30], $0x1F40  }
0x74: {  	[sflag:s30] =	ssyncset.done $0x0  }
0x75: {  	[sflag:s30] =	ssyncadd.s32 $0xFFFFE0C0  }
0x76: {  	_ =	swait.ge [sflag:s31], $0x1F40  }
0x77: {  	[sflag:s31] =	ssyncset.done $0x0  }
0x78: {  	s4 =	simm.s32 $0xDB10;
	[sflag:s31] =	ssyncadd.s32 $0xFFFFE0C0  }
0x79: {  	v20 =	vld [tilespmem:s4+$0x30]  }
0x7a: {  	v21 =	vld [tilespmem:s4+$0x40]  }
0x7b: {  	v22 =	vld [tilespmem:s4+$0x10]  }
0x7c: {  	v23 =	vld [tilespmem:s4+$0x20]  }
0x7d: {  	v24 =	vld [tilespmem:s4+$0xFFFFFFF0]  }
0x7e: {  	s23 =	simm.s32 $0x1F90;
	v25 =	vld [tilespmem:s4+$0x0]  }
0x7f: {  	v14 =	vadd.f32 v18, v14;
	v7 =	vadd.f32 v7, v15;
	v15 =	vmul.f32 v6, v10;
	s24 =	simm.s32 $0x7D50;
	v18 =	vld [tilespmem:s23+$0xFFFFFFB0]  }
0x80: {  	v16 =	vadd.f32 v19, v16;
	v10 =	vadd.f32 v10, v17;
	v12 =	vmul.f32 v5, v12;
	v17 =	vld [tilespmem:s24+$0xFFFFFFB0]  }
0x81: {  	v14 =	vadd.f32 v15, v14;
	v6 =	vadd.f32 v6, v7;
	v7 =	vmul.f32 v5, v11;
	v15 =	vld [tilespmem:s4+$0xFFFFFFB0]  }
0x82: {  	v12 =	vadd.f32 v12, v16;
	v10 =	vadd.f32 v11, v10;
	v11 =	vld [tilespmem:s4+$0xFFFFFFD0]  }
0x83: {  	v13 =	vmul.f32 v8, v13;
	v7 =	vadd.f32 v7, v14;
	v14 =	vmul.f32 v8, v9;
	v19 =	vld [tilespmem:s4+$0xFFFFFFE0]  }
0x84: {  	v26 =	vadd.f32 v5, v6;
	v27 =	vld [tilespmem:s4+$0xFFFFFFC0];
	v28 =	vcvt.s32.f32 v20;
	v16 =	vcvt.s32.f32 v21  }
0x85: {  	v5 =	vadd.f32 v13, v12;
	v12 =	vld [tilespmem:s24+$0xFFFFFFD0];
	v20 =	vcvt.s32.f32 v22;
	v13 =	vcvt.s32.f32 v23  }
0x86: {  	v6 =	vadd.f32 v9, v10;
	v10 =	vld [tilespmem:s23+$0xFFFFFFD0];
	v9 =	vcvt.s32.f32 v15;
	v21 =	vcvt.s32.f32 v24  }
0x87: {  	v7 =	vadd.f32 v14, v7;
	v11 =	vcvt.s32.f32 v11;
	v22 =	vld [tilespmem:s24+$0xFFFFFFF0];
	v14 =	vcvt.s32.f32 v25  }
0x88: {  	v8 =	vadd.f32 v8, v26;
	v15 =	vcvt.s32.f32 v19;
	v19 =	vld [tilespmem:s23+$0xFFFFFFF0];
	v17 =	vmul.f32 v9, v17  }
0x89: {  	v26 =	vld [tilespmem:s24+$0x10];
	v23 =	vimm.f32 $0.0e+00;
	v25 =	vcvt.s32.f32 v27;
	v24 =	vmul.f32 v9, v18  }
0x8a: {  	v27 =	vld [tilespmem:s23+$0x10];
	v18 =	vadd.f32 v18, v23;
	v12 =	vmul.f32 v11, v12;
	v17 =	vadd.f32 v17, v23  }
0x8b: {  	v30 =	vld [tilespmem:s24+$0x30];
	v9 =	vadd.f32 v9, v23;
	v29 =	vmul.f32 v11, v10;
	v24 =	vadd.f32 v24, v23  }
0x8c: {  	v10 =	vadd.f32 v10, v18;
	v18 =	vld [tilespmem:s24+$0xFFFFFFC0];
	v12 =	vadd.f32 v12, v17;
	v17 =	vmul.f32 v21, v22  }
0x8d: {  	v9 =	vadd.f32 v11, v9;
	v11 =	vmul.f32 v21, v19;
	v22 =	vld [tilespmem:s23+$0x30];
	v24 =	vadd.f32 v29, v24  }
0x8e: {  	v29 =	vld [tilespmem:s23+$0xFFFFFFC0];
	v10 =	vadd.f32 v19, v10;
	v12 =	vadd.f32 v17, v12;
	v17 =	vmul.f32 v20, v26  }
0x8f: {  	v19 =	vld [tilespmem:s24+$0xFFFFFFE0];
	v9 =	vadd.f32 v21, v9;
	v21 =	vmul.f32 v20, v27;
	v11 =	vadd.f32 v11, v24  }
0x90: {  	v31 =	vld [tilespmem:s23+$0xFFFFFFE0];
	v10 =	vadd.f32 v27, v10;
	v12 =	vadd.f32 v17, v12;
	v17 =	vmul.f32 v28, v30  }
0x91: {  	v27 =	vld [tilespmem:s24+$0x0];
	v26 =	vmul.f32 v25, v18;
	v11 =	vadd.f32 v21, v11;
	v21 =	vadd.f32 v20, v9  }
0x92: {  	v18 =	vld [tilespmem:s23+$0x0];
	v24 =	vmul.f32 v28, v22;
	v10 =	vadd.f32 v22, v10;
	v9 =	vadd.f32 v17, v12  }
0x93: {  	v20 =	vld [tilespmem:s24+$0x20];
	v17 =	vmul.f32 v25, v29;
	v12 =	vadd.f32 v28, v21;
	v28 =	vadd.f32 v29, v23  }
0x94: {  	v29 =	vmul.f32 v15, v19;
	v19 =	vld [tilespmem:s23+$0x20];
	v11 =	vadd.f32 v24, v11;
	v24 =	vadd.f32 v26, v23  }
0x95: {  	v21 =	vld [tilespmem:s24+$0x40];
	v26 =	vmul.f32 v15, v31;
	v22 =	vadd.f32 v17, v23;
	v23 =	vadd.f32 v25, v23  }
0x96: {  	s20 =	simm.s32 $0x0;
	s4 =	simm.s32 $0xDBB0;
	v27 =	vmul.f32 v14, v27;
	v25 =	vadd.f32 v31, v28;
	v17 =	vld [tilespmem:s23+$0x40];
	v24 =	vadd.f32 v29, v24  }
.LBB2_4:
0x97: {  	v28 =	vld [tilespmem:s4+$0x30];
	v22 =	vadd.f32 v26, v22;
	v15 =	vadd.f32 v15, v23;
	v23 =	vmul.f32 v14, v18  }
0x98: {  	v26 =	vld [tilespmem:s4+$0x40];
	v24 =	vadd.f32 v27, v24;
	v18 =	vadd.f32 v18, v25;
	v20 =	vmul.f32 v13, v20  }
0x99: {  	v25 =	vld [tilespmem:s4+$0x10];
	v22 =	vadd.f32 v23, v22;
	v14 =	vadd.f32 v14, v15;
	v15 =	vmul.f32 v13, v19  }
0x9a: {  	v23 =	vld [tilespmem:s4+$0x20];
	v20 =	vadd.f32 v20, v24;
	v18 =	vadd.f32 v19, v18;
	v19 =	vmul.f32 v16, v21  }
0x9b: {  	v21 =	vld [tilespmem:s4+$0xFFFFFFF0];
	v15 =	vadd.f32 v15, v22;
	v13 =	vadd.f32 v13, v14;
	v14 =	vmul.f32 v16, v17  }
0x9c: {  	s23 =	sadd.s32 $0xA0, s23;
	v22 =	vld [tilespmem:s4+$0x0];
	v19 =	vadd.f32 v19, v20;
	v17 =	vadd.f32 v17, v18  }
0x9d: {  	s24 =	sadd.s32 $0xA0, s24;
	v18 =	vld [tilespmem:s23+$0xFFFFFFB0];
	v24 =	vadd.f32 v14, v15;
	v27 =	vadd.f32 v16, v13  }
0x9e: {  	v15 =	vld [tilespmem:s24+$0xFFFFFFB0]  }
0x9f: {  	v14 =	vld [tilespmem:s4+$0xFFFFFFB0]  }
0xa0: {  	v20 =	vld [tilespmem:s4+$0xFFFFFFD0]  }
0xa1: {  	v29 =	vld [tilespmem:s4+$0xFFFFFFE0]  }
0xa2: {  	v28 =	vcvt.s32.f32 v28;
	v16 =	vcvt.s32.f32 v26;
	v30 =	vld [tilespmem:s4+$0xFFFFFFC0]  }
0xa3: {  	v25 =	vcvt.s32.f32 v25;
	v13 =	vcvt.s32.f32 v23;
	v26 =	vld [tilespmem:s24+$0xFFFFFFD0]  }
0xa4: {  	v21 =	vcvt.s32.f32 v21;
	v23 =	vcvt.s32.f32 v14;
	v31 =	vld [tilespmem:s23+$0xFFFFFFD0]  }
0xa5: {  	v14 =	vcvt.s32.f32 v22;
	v20 =	vcvt.s32.f32 v20;
	v32 =	vld [tilespmem:s24+$0xFFFFFFF0]  }
0xa6: {  	v22 =	vmul.f32 v23, v15;
	v15 =	vcvt.s32.f32 v29;
	v29 =	vld [tilespmem:s23+$0xFFFFFFF0]  }
0xa7: {  	v33 =	vmul.f32 v23, v18;
	v30 =	vcvt.s32.f32 v30;
	v34 =	vld [tilespmem:s24+$0x10]  }
0xa8: {  	v10 =	vadd.f32 v18, v10;
	v9 =	vadd.f32 v22, v9;
	v18 =	vmul.f32 v20, v26;
	v22 =	vld [tilespmem:s23+$0x10]  }
0xa9: {  	v12 =	vadd.f32 v23, v12;
	v11 =	vadd.f32 v33, v11;
	v23 =	vmul.f32 v20, v31;
	v26 =	vld [tilespmem:s24+$0x30]  }
0xaa: {  	s20 =	sadd.s32 $0xA, s20;
	v10 =	vadd.f32 v31, v10;
	v9 =	vadd.f32 v18, v9;
	v18 =	vmul.f32 v21, v32;
	v31 =	vld [tilespmem:s23+$0x30]  }
0xab: {  	p0 =	slt.u32 s20, $0x1EA;
	v12 =	vadd.f32 v20, v12;
	v32 =	vld [tilespmem:s24+$0xFFFFFFC0];
	v11 =	vadd.f32 v23, v11;
	v20 =	vmul.f32 v21, v29  }
0xac: {  	v10 =	vadd.f32 v29, v10;
	v23 =	vld [tilespmem:s23+$0xFFFFFFC0];
	v9 =	vadd.f32 v18, v9;
	v18 =	vmul.f32 v25, v34  }
0xad: {  	v12 =	vadd.f32 v21, v12;
	v29 =	vld [tilespmem:s24+$0xFFFFFFE0];
	v11 =	vadd.f32 v20, v11;
	v20 =	vmul.f32 v25, v22  }
0xae: {  	v10 =	vadd.f32 v22, v10;
	v33 =	vld [tilespmem:s23+$0xFFFFFFE0];
	v9 =	vadd.f32 v18, v9;
	v21 =	vmul.f32 v28, v26  }
0xaf: {  	v12 =	vadd.f32 v25, v12;
	v34 =	vld [tilespmem:s24+$0x0];
	v11 =	vadd.f32 v20, v11;
	v22 =	vmul.f32 v28, v31  }
.Ltmp1:
0xb0: {  	v10 =	vadd.f32 v31, v10;
	v25 =	vmul.f32 v30, v32;
	v18 =	vld [tilespmem:s23+$0x0];
	v9 =	vadd.f32 v21, v9;
	(pc) =	sbr.rel @p0 .LBB2_4-.Ltmp1, $4  }
0xb1: {  	v12 =	vadd.f32 v28, v12;
	v21 =	vmul.f32 v30, v23;
	v20 =	vld [tilespmem:s24+$0x20];
	v11 =	vadd.f32 v22, v11  }
0xb2: {  	v17 =	vadd.f32 v23, v17;
	v25 =	vadd.f32 v25, v19;
	v28 =	vmul.f32 v15, v29;
	v19 =	vld [tilespmem:s23+$0x20]  }
0xb3: {  	v23 =	vadd.f32 v30, v27;
	v22 =	vadd.f32 v21, v24;
	v26 =	vmul.f32 v15, v33;
	v21 =	vld [tilespmem:s24+$0x40]  }
0xb4: {  	s4 =	sadd.s32 $0xA0, s4;
	v24 =	vadd.f32 v28, v25;
	v25 =	vadd.f32 v33, v17;
	v27 =	vmul.f32 v14, v34;
	v17 =	vld [tilespmem:s23+$0x40]  }
0xb5: {  	_ =	swait.ge [sflag:s0], $0x1F40  }
0xb6: {  	[sflag:s0] =	ssyncset.done $0x0  }
0xb7: {  	[sflag:s0] =	ssyncadd.s32 $0xFFFFE0C0  }
0xb8: {  	_ =	swait.ge [sflag:s1], $0x1F40  }
0xb9: {  	[sflag:s1] =	ssyncset.done $0x0  }
0xba: {  	[sflag:s1] =	ssyncadd.s32 $0xFFFFE0C0  }
0xbb: {  	_ =	swait.ge [sflag:s19], $0x1F40  }
0xbc: {  	[sflag:s19] =	ssyncset.done $0x0  }
0xbd: {  	s4 =	simm.s32 $0xFA50;
	[sflag:s19] =	ssyncadd.s32 $0xFFFFE0C0  }
0xbe: {  	v28 =	vld [tilespmem:s4+$0x30]  }
0xbf: {  	v29 =	vld [tilespmem:s4+$0x40]  }
0xc0: {  	v30 =	vld [tilespmem:s4+$0x10]  }
0xc1: {  	v31 =	vld [tilespmem:s4+$0x20]  }
0xc2: {  	s23 =	simm.s32 $0x3ED0;
	v32 =	vld [tilespmem:s4+$0xFFFFFFF0]  }
0xc3: {  	v22 =	vadd.f32 v26, v22;
	v15 =	vadd.f32 v15, v23;
	v23 =	vmul.f32 v14, v18;
	s24 =	simm.s32 $0x9C90;
	v26 =	vld [tilespmem:s23+$0xFFFFFFB0]  }
0xc4: {  	v18 =	vadd.f32 v18, v25;
	v25 =	vld [tilespmem:s24+$0xFFFFFFB0]  }
0xc5: {  	v24 =	vadd.f32 v27, v24;
	v20 =	vmul.f32 v13, v20;
	v22 =	vadd.f32 v23, v22;
	v23 =	vld [tilespmem:s4+$0xFFFFFFB0]  }
0xc6: {  	v14 =	vadd.f32 v14, v15;
	v15 =	vmul.f32 v13, v19;
	v18 =	vadd.f32 v19, v18;
	v19 =	vld [tilespmem:s4+$0xFFFFFFD0]  }
0xc7: {  	v20 =	vadd.f32 v20, v24;
	v24 =	vmul.f32 v16, v21;
	v34 =	vld [tilespmem:s4+$0xFFFFFFE0]  }
0xc8: {  	v15 =	vadd.f32 v15, v22;
	v27 =	vmul.f32 v16, v17;
	v36 =	vld [tilespmem:s4+$0xFFFFFFC0]  }
0xc9: {  	v35 =	vadd.f32 v13, v14;
	v13 =	vadd.f32 v24, v20;
	v58 =	vld [tilespmem:s23+$0xFFFFFFC0];
	v37 =	vcvt.s32.f32 v28  }
0xca: {  	v14 =	vadd.f32 v17, v18;
	v20 =	vld [tilespmem:s24+$0xFFFFFFD0];
	v21 =	vcvt.s32.f32 v29;
	v28 =	vcvt.s32.f32 v30  }
0xcb: {  	v15 =	vadd.f32 v27, v15;
	v18 =	vld [tilespmem:s23+$0xFFFFFFD0];
	v22 =	vcvt.s32.f32 v31;
	v17 =	vcvt.s32.f32 v23  }
0xcc: {  	v16 =	vadd.f32 v16, v35;
	v29 =	vcvt.s32.f32 v32;
	v19 =	vcvt.s32.f32 v19;
	v30 =	vld [tilespmem:s23+$0xFFFFFFF0]  }
0xcd: {  	v27 =	vld [tilespmem:s24+$0xFFFFFFF0];
	v24 =	vcvt.s32.f32 v34;
	v31 =	vimm.f32 $0.0e+00;
	v54 =	vcvt.s32.f32 v36  }
0xce: {  	v56 =	vld [tilespmem:s23+$0x10];
	v36 =	vadd.f32 v58, v31;
	v25 =	vmul.f32 v17, v25;
	v53 =	vmul.f32 v17, v26  }
0xcf: {  	v55 =	vld [tilespmem:s24+$0x10];
	v26 =	vadd.f32 v26, v31;
	v20 =	vmul.f32 v19, v20;
	v17 =	vadd.f32 v17, v31  }
0xd0: {  	v38 =	vld [tilespmem:s24+$0x30];
	v57 =	vmul.f32 v19, v18;
	v25 =	vadd.f32 v25, v31;
	v32 =	vadd.f32 v53, v31  }
0xd1: {  	v18 =	vadd.f32 v18, v26;
	v26 =	vld [tilespmem:s23+$0x30];
	v17 =	vadd.f32 v19, v17;
	v19 =	vmul.f32 v29, v30  }
0xd2: {  	v20 =	vadd.f32 v20, v25;
	v25 =	vmul.f32 v29, v27;
	v27 =	vld [tilespmem:s24+$0xFFFFFFC0];
	v32 =	vadd.f32 v57, v32  }
0xd3: {  	v18 =	vadd.f32 v30, v18;
	v30 =	vld [tilespmem:s24+$0xFFFFFFE0];
	v17 =	vadd.f32 v29, v17;
	v29 =	vmul.f32 v28, v56  }
0xd4: {  	v33 =	vld [tilespmem:s4+$0x0];
	v20 =	vadd.f32 v25, v20;
	v25 =	vmul.f32 v28, v55;
	v19 =	vadd.f32 v19, v32  }
0xd5: {  	v39 =	vld [tilespmem:s23+$0xFFFFFFE0];
	v59 =	vmul.f32 v37, v38;
	v62 =	vmul.f32 v54, v58;
	v18 =	vadd.f32 v56, v18  }
0xd6: {  	v60 =	vld [tilespmem:s24+$0x0];
	v61 =	vmul.f32 v37, v26;
	v20 =	vadd.f32 v25, v20;
	v19 =	vadd.f32 v29, v19  }
0xd7: {  	v29 =	vadd.f32 v28, v17;
	v25 =	vld [tilespmem:s23+$0x0];
	v18 =	vadd.f32 v26, v18;
	v27 =	vmul.f32 v54, v27  }
0xd8: {  	v28 =	vld [tilespmem:s24+$0x20];
	v63 =	vmul.f32 v24, v30;
	v30 =	vadd.f32 v62, v31;
	v17 =	vadd.f32 v59, v20  }
0xd9: {  	v23 =	vcvt.s32.f32 v33;
	v26 =	vld [tilespmem:s23+$0x20];
	v20 =	vadd.f32 v61, v19;
	v27 =	vadd.f32 v27, v31  }
0xda: {  	v34 =	vmul.f32 v24, v39;
	v19 =	vadd.f32 v37, v29;
	v29 =	vld [tilespmem:s24+$0x40];
	v31 =	vadd.f32 v54, v31  }
0xdb: {  	s20 =	simm.s32 $0x0;
	s4 =	simm.s32 $0xFAF0;
	v35 =	vmul.f32 v23, v60;
	v33 =	vadd.f32 v39, v36;
	v32 =	vadd.f32 v63, v27;
	v27 =	vld [tilespmem:s23+$0x40]  }
.LBB2_6:
0xdc: {  	v36 =	vld [tilespmem:s4+$0x30];
	v30 =	vadd.f32 v34, v30;
	v24 =	vadd.f32 v24, v31;
	v31 =	vmul.f32 v23, v25  }
0xdd: {  	v34 =	vld [tilespmem:s4+$0x40];
	v32 =	vadd.f32 v35, v32;
	v25 =	vadd.f32 v25, v33;
	v28 =	vmul.f32 v22, v28  }
0xde: {  	v33 =	vld [tilespmem:s4+$0x10];
	v30 =	vadd.f32 v31, v30;
	v23 =	vadd.f32 v23, v24;
	v24 =	vmul.f32 v22, v26  }
0xdf: {  	v31 =	vld [tilespmem:s4+$0x20];
	v28 =	vadd.f32 v28, v32;
	v25 =	vadd.f32 v26, v25;
	v26 =	vmul.f32 v21, v29  }
0xe0: {  	v29 =	vld [tilespmem:s4+$0xFFFFFFF0];
	v24 =	vadd.f32 v24, v30;
	v22 =	vadd.f32 v22, v23;
	v23 =	vmul.f32 v21, v27  }
0xe1: {  	s23 =	sadd.s32 $0xA0, s23;
	v30 =	vld [tilespmem:s4+$0x0];
	v26 =	vadd.f32 v26, v28;
	v27 =	vadd.f32 v27, v25  }
0xe2: {  	s24 =	sadd.s32 $0xA0, s24;
	v25 =	vld [tilespmem:s23+$0xFFFFFFB0];
	v32 =	vadd.f32 v23, v24;
	v35 =	vadd.f32 v21, v22  }
0xe3: {  	v24 =	vld [tilespmem:s24+$0xFFFFFFB0]  }
0xe4: {  	v23 =	vld [tilespmem:s4+$0xFFFFFFB0]  }
0xe5: {  	v28 =	vld [tilespmem:s4+$0xFFFFFFD0]  }
0xe6: {  	v37 =	vld [tilespmem:s4+$0xFFFFFFE0]  }
0xe7: {  	v36 =	vcvt.s32.f32 v36;
	v21 =	vcvt.s32.f32 v34;
	v38 =	vld [tilespmem:s4+$0xFFFFFFC0]  }
0xe8: {  	v33 =	vcvt.s32.f32 v33;
	v22 =	vcvt.s32.f32 v31;
	v34 =	vld [tilespmem:s24+$0xFFFFFFD0]  }
0xe9: {  	v29 =	vcvt.s32.f32 v29;
	v31 =	vcvt.s32.f32 v23;
	v39 =	vld [tilespmem:s23+$0xFFFFFFD0]  }
0xea: {  	v23 =	vcvt.s32.f32 v30;
	v28 =	vcvt.s32.f32 v28;
	v40 =	vld [tilespmem:s24+$0xFFFFFFF0]  }
0xeb: {  	v30 =	vmul.f32 v31, v24;
	v24 =	vcvt.s32.f32 v37;
	v37 =	vld [tilespmem:s23+$0xFFFFFFF0]  }
0xec: {  	v41 =	vmul.f32 v31, v25;
	v38 =	vcvt.s32.f32 v38;
	v42 =	vld [tilespmem:s24+$0x10]  }
0xed: {  	v18 =	vadd.f32 v25, v18;
	v17 =	vadd.f32 v30, v17;
	v25 =	vmul.f32 v28, v34;
	v30 =	vld [tilespmem:s23+$0x10]  }
0xee: {  	v19 =	vadd.f32 v31, v19;
	v20 =	vadd.f32 v41, v20;
	v31 =	vmul.f32 v28, v39;
	v34 =	vld [tilespmem:s24+$0x30]  }
0xef: {  	s20 =	sadd.s32 $0xA, s20;
	v18 =	vadd.f32 v39, v18;
	v17 =	vadd.f32 v25, v17;
	v25 =	vmul.f32 v29, v40;
	v39 =	vld [tilespmem:s23+$0x30]  }
0xf0: {  	p0 =	slt.u32 s20, $0x1EA;
	v19 =	vadd.f32 v28, v19;
	v40 =	vld [tilespmem:s24+$0xFFFFFFC0];
	v20 =	vadd.f32 v31, v20;
	v28 =	vmul.f32 v29, v37  }
0xf1: {  	v18 =	vadd.f32 v37, v18;
	v31 =	vld [tilespmem:s23+$0xFFFFFFC0];
	v17 =	vadd.f32 v25, v17;
	v25 =	vmul.f32 v33, v42  }
0xf2: {  	v19 =	vadd.f32 v29, v19;
	v37 =	vld [tilespmem:s24+$0xFFFFFFE0];
	v20 =	vadd.f32 v28, v20;
	v28 =	vmul.f32 v33, v30  }
0xf3: {  	v18 =	vadd.f32 v30, v18;
	v41 =	vld [tilespmem:s23+$0xFFFFFFE0];
	v17 =	vadd.f32 v25, v17;
	v29 =	vmul.f32 v36, v34  }
0xf4: {  	v19 =	vadd.f32 v33, v19;
	v42 =	vld [tilespmem:s24+$0x0];
	v20 =	vadd.f32 v28, v20;
	v30 =	vmul.f32 v36, v39  }
.Ltmp2:
0xf5: {  	v18 =	vadd.f32 v39, v18;
	v33 =	vmul.f32 v38, v40;
	v25 =	vld [tilespmem:s23+$0x0];
	v17 =	vadd.f32 v29, v17;
	(pc) =	sbr.rel @p0 .LBB2_6-.Ltmp2, $4  }
0xf6: {  	v19 =	vadd.f32 v36, v19;
	v29 =	vmul.f32 v38, v31;
	v28 =	vld [tilespmem:s24+$0x20];
	v20 =	vadd.f32 v30, v20  }
0xf7: {  	v27 =	vadd.f32 v31, v27;
	v33 =	vadd.f32 v33, v26;
	v36 =	vmul.f32 v24, v37;
	v26 =	vld [tilespmem:s23+$0x20]  }
0xf8: {  	v31 =	vadd.f32 v38, v35;
	v30 =	vadd.f32 v29, v32;
	v34 =	vmul.f32 v24, v41;
	v29 =	vld [tilespmem:s24+$0x40]  }
0xf9: {  	s4 =	sadd.s32 $0xA0, s4;
	v32 =	vadd.f32 v36, v33;
	v33 =	vadd.f32 v41, v27;
	v35 =	vmul.f32 v23, v42;
	v27 =	vld [tilespmem:s23+$0x40]  }
0xfa: {  	_ =	swait.ge [sflag:s25], $0x1F40  }
0xfb: {  	[sflag:s25] =	ssyncset.done $0x0  }
0xfc: {  	[sflag:s25] =	ssyncadd.s32 $0xFFFFE0C0  }
0xfd: {  	_ =	swait.ge [sflag:s26], $0x1F40  }
0xfe: {  	[sflag:s26] =	ssyncset.done $0x0  }
0xff: {  	[sflag:s26] =	ssyncadd.s32 $0xFFFFE0C0  }
0x100: {  	_ =	swait.ge [sflag:s28], $0x1F40  }
0x101: {  	[sflag:s28] =	ssyncset.done $0x0  }
0x102: {  	s4 =	simm.s32 $0xBBD0;
	[sflag:s28] =	ssyncadd.s32 $0xFFFFE0C0  }
0x103: {  	v36 =	vld [tilespmem:s4+$0x30]  }
0x104: {  	v37 =	vld [tilespmem:s4+$0x40]  }
0x105: {  	v38 =	vld [tilespmem:s4+$0x10]  }
0x106: {  	v39 =	vld [tilespmem:s4+$0x20]  }
0x107: {  	v40 =	vld [tilespmem:s4+$0xFFFFFFF0]  }
0x108: {  	s23 =	simm.s32 $0x50;
	v41 =	vld [tilespmem:s4+$0x0]  }
0x109: {  	v30 =	vadd.f32 v34, v30;
	v24 =	vadd.f32 v24, v31;
	v31 =	vmul.f32 v23, v25;
	s24 =	simm.s32 $0x5E10;
	v56 =	vld [tilespmem:s23+$0xFFFFFFB0]  }
0x10a: {  	v32 =	vadd.f32 v35, v32;
	v25 =	vadd.f32 v25, v33;
	v28 =	vmul.f32 v22, v28;
	v57 =	vld [tilespmem:s24+$0xFFFFFFB0]  }
0x10b: {  	v30 =	vadd.f32 v31, v30;
	v23 =	vadd.f32 v23, v24;
	v24 =	vmul.f32 v22, v26;
	v31 =	vld [tilespmem:s4+$0xFFFFFFB0]  }
0x10c: {  	v28 =	vadd.f32 v28, v32;
	v59 =	vld [tilespmem:s4+$0xFFFFFFD0]  }
0x10d: {  	v58 =	vadd.f32 v26, v25;
	v26 =	vmul.f32 v21, v29;
	v24 =	vadd.f32 v24, v30;
	v30 =	vld [tilespmem:s4+$0xFFFFFFE0]  }
0x10e: {  	v29 =	vmul.f32 v21, v27;
	v43 =	vld [tilespmem:s4+$0xFFFFFFC0]  }
0x10f: {  	v42 =	vadd.f32 v22, v23;
	v22 =	vadd.f32 v26, v28;
	v28 =	vld [tilespmem:s24+$0xFFFFFFD0];
	v36 =	vcvt.s32.f32 v36  }
0x110: {  	v23 =	vadd.f32 v27, v58;
	v60 =	vld [tilespmem:s23+$0xFFFFFFD0];
	v25 =	vcvt.s32.f32 v37;
	v37 =	vcvt.s32.f32 v38  }
0x111: {  	v24 =	vadd.f32 v29, v24;
	v52 =	vld [tilespmem:s24+$0xFFFFFFC0];
	v26 =	vcvt.s32.f32 v39;
	v31 =	vcvt.s32.f32 v31  }
0x112: {  	v21 =	vadd.f32 v21, v42;
	v62 =	vld [tilespmem:s24+$0xFFFFFFF0];
	v61 =	vcvt.s32.f32 v40;
	v29 =	vcvt.s32.f32 v59  }
0x113: {  	v48 =	vld [tilespmem:s24+$0x10];
	v27 =	vcvt.s32.f32 v41;
	v32 =	vcvt.s32.f32 v30;
	v40 =	vimm.f32 $0.0e+00  }
0x114: {  	v30 =	vld [tilespmem:s23+$0xFFFFFFF0];
	v42 =	vcvt.s32.f32 v43;
	v34 =	vadd.f32 v56, v40;
	v33 =	vmul.f32 v31, v57  }
0x115: {  	v44 =	vld [tilespmem:s23+$0x10];
	v63 =	vmul.f32 v31, v56;
	v28 =	vmul.f32 v29, v28;
	v31 =	vadd.f32 v31, v40  }
0x116: {  	v53 =	vld [tilespmem:s23+$0xFFFFFFC0];
	v38 =	vmul.f32 v42, v52;
	v49 =	vadd.f32 v60, v34;
	v33 =	vadd.f32 v33, v40  }
0x117: {  	v55 =	vld [tilespmem:s24+$0xFFFFFFE0];
	v45 =	vmul.f32 v29, v60;
	v41 =	vadd.f32 v63, v40;
	v29 =	vadd.f32 v29, v31  }
0x118: {  	v46 =	vld [tilespmem:s24+$0x30];
	v50 =	vmul.f32 v61, v62;
	v62 =	vadd.f32 v38, v40;
	v38 =	vadd.f32 v42, v40  }
0x119: {  	v51 =	vld [tilespmem:s23+$0x30];
	v31 =	vmul.f32 v61, v30;
	v30 =	vadd.f32 v30, v49;
	v28 =	vadd.f32 v28, v33  }
0x11a: {  	v54 =	vmul.f32 v37, v48;
	v57 =	vld [tilespmem:s23+$0xFFFFFFE0];
	v41 =	vadd.f32 v45, v41;
	v29 =	vadd.f32 v61, v29  }
0x11b: {  	v61 =	vmul.f32 v42, v53;
	v45 =	vadd.f32 v53, v40;
	v58 =	vadd.f32 v44, v30  }
0x11c: {  	v59 =	vld [tilespmem:s24+$0x0];
	v63 =	vmul.f32 v32, v55;
	v28 =	vadd.f32 v50, v28;
	v31 =	vadd.f32 v31, v41  }
0x11d: {  	v56 =	vmul.f32 v37, v44;
	v33 =	vld [tilespmem:s23+$0x0];
	v37 =	vadd.f32 v37, v29;
	v39 =	vadd.f32 v61, v40  }
0x11e: {  	v35 =	vld [tilespmem:s24+$0x20];
	v30 =	vmul.f32 v36, v46;
	v41 =	vadd.f32 v63, v62;
	v28 =	vadd.f32 v54, v28  }
0x11f: {  	v60 =	vmul.f32 v36, v51;
	v34 =	vld [tilespmem:s23+$0x20];
	v40 =	vadd.f32 v57, v45;
	v31 =	vadd.f32 v56, v31  }
0x120: {  	v42 =	vmul.f32 v32, v57;
	v30 =	vadd.f32 v30, v28;
	v28 =	vadd.f32 v36, v37;
	v37 =	vld [tilespmem:s24+$0x40]  }
0x121: {  	s20 =	simm.s32 $0x0;
	s4 =	simm.s32 $0xBC70;
	v43 =	vmul.f32 v27, v59;
	v29 =	vadd.f32 v51, v58;
	v31 =	vadd.f32 v60, v31;
	v36 =	vld [tilespmem:s23+$0x40]  }
.LBB2_8:
0x122: {  	v44 =	vld [tilespmem:s4+$0x30];
	v39 =	vadd.f32 v42, v39;
	v32 =	vadd.f32 v32, v38;
	v38 =	vmul.f32 v27, v33  }
0x123: {  	v42 =	vld [tilespmem:s4+$0x40];
	v41 =	vadd.f32 v43, v41;
	v33 =	vadd.f32 v33, v40;
	v35 =	vmul.f32 v26, v35  }
0x124: {  	v40 =	vld [tilespmem:s4+$0x10];
	v38 =	vadd.f32 v38, v39;
	v27 =	vadd.f32 v27, v32;
	v32 =	vmul.f32 v26, v34  }
0x125: {  	v39 =	vld [tilespmem:s4+$0x20];
	v35 =	vadd.f32 v35, v41;
	v33 =	vadd.f32 v34, v33;
	v34 =	vmul.f32 v25, v37  }
0x126: {  	v37 =	vld [tilespmem:s4+$0xFFFFFFF0];
	v32 =	vadd.f32 v32, v38;
	v26 =	vadd.f32 v26, v27;
	v27 =	vmul.f32 v25, v36  }
0x127: {  	s23 =	sadd.s32 $0xA0, s23;
	v38 =	vld [tilespmem:s4+$0x0];
	v34 =	vadd.f32 v34, v35;
	v36 =	vadd.f32 v36, v33  }
0x128: {  	s24 =	sadd.s32 $0xA0, s24;
	v33 =	vld [tilespmem:s23+$0xFFFFFFB0];
	v41 =	vadd.f32 v27, v32;
	v43 =	vadd.f32 v25, v26  }
0x129: {  	v32 =	vld [tilespmem:s24+$0xFFFFFFB0]  }
0x12a: {  	v27 =	vld [tilespmem:s4+$0xFFFFFFB0]  }
0x12b: {  	v35 =	vld [tilespmem:s4+$0xFFFFFFD0]  }
0x12c: {  	v45 =	vld [tilespmem:s4+$0xFFFFFFE0]  }
0x12d: {  	v44 =	vcvt.s32.f32 v44;
	v25 =	vcvt.s32.f32 v42;
	v46 =	vld [tilespmem:s4+$0xFFFFFFC0]  }
0x12e: {  	v40 =	vcvt.s32.f32 v40;
	v26 =	vcvt.s32.f32 v39;
	v42 =	vld [tilespmem:s24+$0xFFFFFFD0]  }
0x12f: {  	v37 =	vcvt.s32.f32 v37;
	v39 =	vcvt.s32.f32 v27;
	v47 =	vld [tilespmem:s23+$0xFFFFFFD0]  }
0x130: {  	v27 =	vcvt.s32.f32 v38;
	v35 =	vcvt.s32.f32 v35;
	v48 =	vld [tilespmem:s24+$0xFFFFFFF0]  }
0x131: {  	v38 =	vmul.f32 v39, v32;
	v32 =	vcvt.s32.f32 v45;
	v45 =	vld [tilespmem:s23+$0xFFFFFFF0]  }
0x132: {  	v49 =	vmul.f32 v39, v33;
	v46 =	vcvt.s32.f32 v46;
	v50 =	vld [tilespmem:s24+$0x10]  }
0x133: {  	v29 =	vadd.f32 v33, v29;
	v30 =	vadd.f32 v38, v30;
	v33 =	vmul.f32 v35, v42;
	v38 =	vld [tilespmem:s23+$0x10]  }
0x134: {  	v28 =	vadd.f32 v39, v28;
	v31 =	vadd.f32 v49, v31;
	v39 =	vmul.f32 v35, v47;
	v42 =	vld [tilespmem:s24+$0x30]  }
0x135: {  	s20 =	sadd.s32 $0xA, s20;
	v29 =	vadd.f32 v47, v29;
	v30 =	vadd.f32 v33, v30;
	v33 =	vmul.f32 v37, v48;
	v47 =	vld [tilespmem:s23+$0x30]  }
0x136: {  	p0 =	slt.u32 s20, $0x1EA;
	v28 =	vadd.f32 v35, v28;
	v48 =	vld [tilespmem:s24+$0xFFFFFFC0];
	v31 =	vadd.f32 v39, v31;
	v35 =	vmul.f32 v37, v45  }
0x137: {  	v29 =	vadd.f32 v45, v29;
	v39 =	vld [tilespmem:s23+$0xFFFFFFC0];
	v30 =	vadd.f32 v33, v30;
	v33 =	vmul.f32 v40, v50  }
0x138: {  	v28 =	vadd.f32 v37, v28;
	v45 =	vld [tilespmem:s24+$0xFFFFFFE0];
	v31 =	vadd.f32 v35, v31;
	v35 =	vmul.f32 v40, v38  }
0x139: {  	v29 =	vadd.f32 v38, v29;
	v49 =	vld [tilespmem:s23+$0xFFFFFFE0];
	v30 =	vadd.f32 v33, v30;
	v37 =	vmul.f32 v44, v42  }
0x13a: {  	v28 =	vadd.f32 v40, v28;
	v50 =	vld [tilespmem:s24+$0x0];
	v31 =	vadd.f32 v35, v31;
	v38 =	vmul.f32 v44, v47  }
.Ltmp3:
0x13b: {  	v29 =	vadd.f32 v47, v29;
	v40 =	vmul.f32 v46, v48;
	v33 =	vld [tilespmem:s23+$0x0];
	v30 =	vadd.f32 v37, v30;
	(pc) =	sbr.rel @p0 .LBB2_8-.Ltmp3, $4  }
0x13c: {  	v28 =	vadd.f32 v44, v28;
	v37 =	vmul.f32 v46, v39;
	v35 =	vld [tilespmem:s24+$0x20];
	v31 =	vadd.f32 v38, v31  }
0x13d: {  	v36 =	vadd.f32 v39, v36;
	v40 =	vadd.f32 v40, v34;
	v44 =	vmul.f32 v32, v45;
	v34 =	vld [tilespmem:s23+$0x20]  }
0x13e: {  	v38 =	vadd.f32 v46, v43;
	v39 =	vadd.f32 v37, v41;
	v42 =	vmul.f32 v32, v49;
	v37 =	vld [tilespmem:s24+$0x40]  }
0x13f: {  	s4 =	sadd.s32 $0xA0, s4;
	v41 =	vadd.f32 v44, v40;
	v40 =	vadd.f32 v49, v36;
	v43 =	vmul.f32 v27, v50;
	v36 =	vld [tilespmem:s23+$0x40]  }
0x140: {  	v39 =	vadd.f32 v42, v39  }
0x141: {  	v32 =	vadd.f32 v32, v38;
	v1 =	vadd.f32 v5, v1  }
0x142: {  	v2 =	vadd.f32 v6, v2;
	v3 =	vadd.f32 v7, v3  }
0x143: {  	v4 =	vadd.f32 v8, v4;
	v52 =	vadd.f32 v13, v9  }
0x144: {  	v53 =	vadd.f32 v14, v10;
	v54 =	vadd.f32 v15, v11  }
0x145: {  	v55 =	vadd.f32 v16, v12;
	v56 =	vadd.f32 v22, v17  }
0x146: {  	v60 =	vmul.f32 v27, v33;
	v57 =	vadd.f32 v23, v18;
	v58 =	vadd.f32 v24, v20  }
0x147: {  	v61 =	vadd.f32 v43, v41;
	v62 =	vadd.f32 v33, v40  }
0x148: {  	v39 =	vadd.f32 v60, v39;
	v42 =	vadd.f32 v27, v32  }
0x149: {  	v35 =	vmul.f32 v26, v35;
	v1 =	vadd.f32 $0.0e+00, v1;
	v2 =	vadd.f32 $0.0e+00, v2  }
0x14a: {  	v63 =	vmul.f32 v26, v34;
	v3 =	vadd.f32 $0.0e+00, v3;
	v4 =	vadd.f32 v55, v4  }
0x14b: {  	v60 =	vadd.f32 v21, v19;
	v43 =	vadd.f32 v35, v61  }
0x14c: {  	v44 =	vmul.f32 v25, v37;
	v33 =	vadd.f32 v34, v62;
	v45 =	vadd.f32 v63, v39  }
0x14d: {  	v47 =	vadd.f32 v26, v42;
	v1 =	vadd.f32 v52, v1  }
0x14e: {  	v46 =	vmul.f32 v25, v36;
	v2 =	vadd.f32 v53, v2;
	v48 =	vadd.f32 v44, v43  }
0x14f: {  	v3 =	vadd.f32 v54, v3;
	v49 =	vadd.f32 v36, v33  }
0x150: {  	v50 =	vadd.f32 v46, v45;
	v59 =	vadd.f32 v48, v30  }
0x151: {  	v51 =	vadd.f32 v25, v47;
	v61 =	vadd.f32 v49, v29  }
0x152: {  	v1 =	vadd.f32 v56, v1;
	v62 =	vadd.f32 v50, v31;
	v8 =	vmul.f32 v59, v0  }
0x153: {  	v2 =	vadd.f32 v57, v2;
	v63 =	vadd.f32 v51, v28;
	v10 =	vmul.f32 v61, v0  }
0x154: {  	v3 =	vadd.f32 v58, v3;
	v5 =	vmul.f32 v62, v0;
	v1 =	vadd.f32 v8, v1  }
0x155: {  	v4 =	vadd.f32 v60, v4;
	v6 =	vmul.f32 v63, v0;
	v2 =	vadd.f32 v10, v2  }
0x156: {  	v3 =	vadd.f32 v5, v3;
	[tilespmem:$0x11940] =	vst v1  }
0x157: {  	s22 =	sadd.s32 $0x1, s22;
	v1 =	vadd.f32 v6, v4;
	[tilespmem:$0x11950] =	vst v2  }
0x158: {  	p0 =	sne.s32 s22, s16;
	[tilespmem:$0x11960] =	vst v3  }
.Ltmp4:
0x159: {  	s4 =	simm.s32 $0x11940;
	[tilespmem:$0x11970] =	vst v1;
	(pc) =	sbr.rel @p0 .LBB2_1-.Ltmp4, $4  }
0x15a: {  	[hbm4b:s15+s2] =	stream.linear.scatter [tilespmem:s4], [sflag:$0xA], $0x40, $0x38;
	[tilespmem:$0x11980] =	vst v63  }
0x15b: {  	_ =	swait.ge [sflag:s21], $0x40  }
0x15c: {  	[sflag:s21] =	ssyncset.done $0x0  }
0x15d: {  	[sflag:s21] =	ssyncadd.s32 $0xFFFFFFC0  }
0x15e: {  	_ =	sfence.sel $0x180000  }
0x15f: {  	[bflag:$0x0] =	sbarrier.arrive $0xFFFF  }
0x160: {  	_ =	strace $0x90000047  }
0x161: {  	s0 =	stileid.u32;
	[bflag:$0x2] =	sbarrier.arrive $0xFFFF  }
0x162: {  	p0 =	sne.s32 s0, $0x0;
	s0 =	rddreg [dreg:$0x2]  }
0x163: {  	s0 =	sadd.s32 @!p0 $0x100000, s0  }
0x164: {  	[sflag:s0] =	ssyncadd.tile.s32 @!p0 $0x1;
	_ =	shalt  }
.Lfunc_end2:
_tile_overlayer_lowered:
.L_overlay_start_2:
0x165: {  	(tag) =	ssettag $0x2  }
0x166: {  	s0 =	rddreg [dreg:$0x0];
	s2 =	stileid.u32  }
0x167: {  	s1 =	rddreg [dreg:$0x1];
	p0 =	sne.s32 s2, $0x0  }
0x168: {  	s3 =	rddreg [dreg:$0x2];
	[bflag:$0x3] =	sbarrier.arrive $0xFFFF;
	s2 =	simm.s32 @!p0 $0x1C0A  }
0x169: {  	[timem:s3], [sflag:s2] =	dma.local @!p0 [hbm:s0], s1  }
0x16a: {  	s0 =	simm.s32 @!p0 $0xA  }
0x16b: {  	_ =	swait.ge @!p0 [sflag:s0], s1  }
0x16c: {  	s1 =	ssub.s32 @!p0 $0x0, s1;
	[sflag:s0] =	ssyncset.done @!p0 $0x0  }
0x16d: {  	[sflag:s0] =	ssyncadd.s32 @!p0 s1  }
0x16e: {  	[bflag:$0x3] =	sbarrier.arrive $0xFFFF  }
0x16f: {  	_ =	shalt  }

</sc_bundles>
